<compile_context>
chip_gen: v7x
topology: tpu7x:2x2x1
jax: 0.10.2.dev20260603
libtpu: 0.0.44.dev20260713+nightly
codegen_flags: <defaults>
</compile_context>

<pallas_src>
import functools

import jax
import jax.numpy as jnp
from jax import lax
from jax.experimental import pallas as pl
from jax.experimental.pallas import tpu as pltpu
from jax.experimental.pallas import tpu_sc as plsc

EPS = 1e-5

NC = 2
NS = 16
NW = NC * NS
CHUNK = 40
NBUF = 5


def _pack_bf16(h):
    K = h.shape[1] // 2
    h16 = h.astype(jnp.bfloat16)
    lo = lax.bitcast_convert_type(h16[:, :K], jnp.uint16).astype(jnp.uint32)
    hi = lax.bitcast_convert_type(h16[:, K:], jnp.uint16).astype(jnp.uint32)
    return lax.bitcast_convert_type(lo | (hi << 16), jnp.int32)


def _unpack_bf16(w):
    f_lo = lax.bitcast_convert_type(lax.shift_left(w, 16), jnp.float32)
    f_hi = lax.bitcast_convert_type(w & jnp.int32(-65536), jnp.float32)
    return jnp.concatenate([f_lo, f_hi], axis=1)


def _proj_body(x_ref, wsT_ref, bs_ref, wdT_ref, bd_ref, hs_ref, hd_ref):
    x = x_ref[...]
    hs_ref[...] = _pack_bf16(
        jnp.dot(x, wsT_ref[...], preferred_element_type=jnp.float32) + bs_ref[...]
    )
    hd_ref[...] = _pack_bf16(
        jnp.dot(x, wdT_ref[...], preferred_element_type=jnp.float32) + bd_ref[...]
    )


def _project(x, wsT, bs, wdT, bd):
    N, F = x.shape
    F2 = wsT.shape[1]
    BN = 2000 if N % 2000 == 0 else N
    return pl.pallas_call(
        _proj_body,
        grid=(N // BN,),
        in_specs=[
            pl.BlockSpec((BN, F), lambda i: (i, 0)),
            pl.BlockSpec((F, F2), lambda i: (0, 0)),
            pl.BlockSpec((1, F2), lambda i: (0, 0)),
            pl.BlockSpec((F, F2), lambda i: (0, 0)),
            pl.BlockSpec((1, F2), lambda i: (0, 0)),
        ],
        out_specs=[
            pl.BlockSpec((BN, F2 // 2), lambda i: (i, 0)),
            pl.BlockSpec((BN, F2 // 2), lambda i: (i, 0)),
        ],
        out_shape=[jax.ShapeDtypeStruct((N, F2 // 2), jnp.int32)] * 2,
    )(x, wsT, bs, wdT, bd)


def _gather_pair(h_src, h_dst, src2, dst2):
    N, F2W = h_src.shape
    EPW = src2.shape[1]
    E = NW * EPW
    CB = 80
    NCH = EPW // CB
    mesh = plsc.VectorSubcoreMesh(core_axis_name="c", subcore_axis_name="s")

    @functools.partial(
        pl.kernel,
        mesh=mesh,
        out_type=[jax.ShapeDtypeStruct((E, F2W), jnp.int32)] * 2,
        scratch_types=[
            pltpu.VMEM((EPW,), jnp.int32),
            pltpu.VMEM((EPW,), jnp.int32),
            [pltpu.VMEM((CB, F2W), jnp.int32) for _ in range(NBUF)],
            [pltpu.VMEM((CB, F2W), jnp.int32) for _ in range(NBUF)],
            [pltpu.SemaphoreType.DMA for _ in range(NBUF)],
            [pltpu.SemaphoreType.DMA for _ in range(NBUF)],
            [pltpu.SemaphoreType.DMA for _ in range(NBUF)],
            [pltpu.SemaphoreType.DMA for _ in range(NBUF)],
        ],
    )
    def body(hs_hbm, hd_hbm, src_hbm, dst_hbm, ga_hbm, gb_hbm,
             ia, ib, ba, bb, sa, sb, swa, swb):
        c = lax.axis_index("c")
        s = lax.axis_index("s")
        wid = c * NS + s
        base0 = wid * EPW
        pltpu.sync_copy(src_hbm.at[wid], ia)
        pltpu.sync_copy(dst_hbm.at[wid], ib)

        def issue(i, p):
            sl = pl.ds(i * CB, CB)
            pltpu.async_copy(hs_hbm.at[ia.at[sl]], ba[p], sa[p])
            pltpu.async_copy(hd_hbm.at[ib.at[sl]], bb[p], sb[p])

        def work(i, p):
            pltpu.make_async_copy(hs_hbm.at[pl.ds(0, CB)], ba[p], sa[p]).wait()
            pltpu.make_async_copy(hd_hbm.at[pl.ds(0, CB)], bb[p], sb[p]).wait()
            osl = pl.ds(base0 + i * CB, CB)
            pltpu.async_copy(ba[p], ga_hbm.at[osl], swa[p])
            pltpu.async_copy(bb[p], gb_hbm.at[osl], swb[p])

        def refill(i, p):
            pltpu.make_async_copy(ga_hbm.at[pl.ds(0, CB)], ba[p], swa[p]).wait()
            pltpu.make_async_copy(gb_hbm.at[pl.ds(0, CB)], bb[p], swb[p]).wait()
            issue(i, p)

        for p in range(NBUF):
            issue(p, p)

        def group(k, carry):
            i0 = NBUF * k
            for p in range(NBUF):
                work(i0 + p, p)

                @pl.when(i0 + p + NBUF < NCH)
                def _r(p=p, i=i0 + p + NBUF):
                    refill(i, p)

            return carry

        lax.fori_loop(0, NCH // NBUF, group, 0)
        for p in range(NBUF):
            pltpu.make_async_copy(ga_hbm.at[pl.ds(0, CB)], ba[p], swa[p]).wait()
            pltpu.make_async_copy(gb_hbm.at[pl.ds(0, CB)], bb[p], swb[p]).wait()

    return body(h_src, h_dst, src2, dst2)


def _stats_body(ga_ref, gb_ref, ef_ref, weT_ref, be_ref, out_ref, acc_ref):
    i = pl.program_id(0)

    @pl.when(i == 0)
    def _init():
        acc_ref[...] = jnp.zeros_like(acc_ref)

    m = (
        _unpack_bf16(ga_ref[...])
        + _unpack_bf16(gb_ref[...])
        + jnp.dot(ef_ref[...], weT_ref[...], preferred_element_type=jnp.float32)
        + be_ref[...]
    )
    acc_ref[0:1, :] += jnp.sum(m, axis=0, keepdims=True)
    acc_ref[1:2, :] += jnp.sum(m * m, axis=0, keepdims=True)

    @pl.when(i == pl.num_programs(0) - 1)
    def _fin():
        out_ref[...] = acc_ref[...]


def _edge_stats(ga, gb, ef, weT, be):
    E, F2W = ga.shape
    F2 = 2 * F2W
    FE = ef.shape[1]
    BE = 8000 if E % 8000 == 0 else E
    return pl.pallas_call(
        _stats_body,
        grid=(E // BE,),
        in_specs=[
            pl.BlockSpec((BE, F2W), lambda i: (i, 0)),
            pl.BlockSpec((BE, F2W), lambda i: (i, 0)),
            pl.BlockSpec((BE, FE), lambda i: (i, 0)),
            pl.BlockSpec((FE, F2), lambda i: (0, 0)),
            pl.BlockSpec((1, F2), lambda i: (0, 0)),
        ],
        out_specs=pl.BlockSpec((2, F2), lambda i: (0, 0)),
        out_shape=jax.ShapeDtypeStruct((2, F2), jnp.float32),
        scratch_shapes=[pltpu.VMEM((2, F2), jnp.float32)],
    )(ga, gb, ef, weT, be)


def _act_body(E, F, ga_ref, gb_ref, ef_ref, weT_ref, be_ref, st0_ref, st1_ref,
              gm_ref, bm_ref, y_ref):
    m = (
        _unpack_bf16(ga_ref[...])
        + _unpack_bf16(gb_ref[...])
        + jnp.dot(ef_ref[...], weT_ref[...], preferred_element_type=jnp.float32)
        + be_ref[...]
    )
    st_ref = st0_ref[...] + st1_ref[...]
    mu = st_ref[0:1, :] / E
    var = st_ref[1:2, :] / E - mu * mu
    scale = gm_ref[...] * lax.rsqrt(var + EPS)
    shift = bm_ref[...] - mu * scale
    mn = m * scale + shift
    f = mn[:, :F]
    sp = mn[:, F:]
    y_ref[...] = jax.nn.sigmoid(f) * jax.nn.softplus(sp)


def _edge_activate(E_total, ga, gb, ef, weT, be, st0, st1, gm, bm):
    E, F2W = ga.shape
    F2 = 2 * F2W
    F = F2 // 2
    FE = ef.shape[1]
    BE = 8000 if E % 8000 == 0 else E
    return pl.pallas_call(
        functools.partial(_act_body, E_total, F),
        grid=(E // BE,),
        in_specs=[
            pl.BlockSpec((BE, F2W), lambda i: (i, 0)),
            pl.BlockSpec((BE, F2W), lambda i: (i, 0)),
            pl.BlockSpec((BE, FE), lambda i: (i, 0)),
            pl.BlockSpec((FE, F2), lambda i: (0, 0)),
            pl.BlockSpec((1, F2), lambda i: (0, 0)),
            pl.BlockSpec((2, F2), lambda i: (0, 0)),
            pl.BlockSpec((2, F2), lambda i: (0, 0)),
            pl.BlockSpec((1, F2), lambda i: (0, 0)),
            pl.BlockSpec((1, F2), lambda i: (0, 0)),
        ],
        out_specs=pl.BlockSpec((BE, F), lambda i: (i, 0)),
        out_shape=jax.ShapeDtypeStruct((E, F), jnp.float32),
    )(ga, gb, ef, weT, be, st0, st1, gm, bm)


def _scatter_sum(y, dst3, N):
    E, F = y.shape
    EPW = E // NW
    NCH = EPW // CHUNK
    NST, SCH = dst3.shape[1], dst3.shape[2]
    NDW = 10
    RPT = N // NDW
    ZB = 40
    mesh = plsc.VectorSubcoreMesh(core_axis_name="c", subcore_axis_name="s")

    @functools.partial(
        pl.kernel,
        mesh=mesh,
        out_type=jax.ShapeDtypeStruct((NC, N, F), jnp.float32),
        scratch_types=[
            pltpu.VMEM((SCH, CHUNK), jnp.int32),
            [pltpu.VMEM((CHUNK, F), jnp.float32) for _ in range(NBUF)],
            pltpu.VMEM((ZB, F), jnp.float32),
            pltpu.VMEM_SHARED((N, F), jnp.float32),
            [pltpu.SemaphoreType.DMA for _ in range(NBUF)],
            [pltpu.SemaphoreType.DMA for _ in range(NBUF)],
        ],
    )
    def body(y_hbm, dst_hbm, out_hbm, idx, yb, zb, acc, sy, sc_sem):
        c = lax.axis_index("c")
        s = lax.axis_index("s")
        wid = c * NS + s

        def zrow(r, carry):
            for k in range(F // 16):
                zb[r, pl.ds(k * 16, 16)] = jnp.zeros((16,), jnp.float32)
            return carry

        lax.fori_loop(0, ZB, zrow, 0)

        @pl.when(s < NDW)
        def _zero():
            def zchunk(j, carry):
                pltpu.sync_copy(zb, acc.at[pl.ds(s * RPT + j * ZB, ZB)])
                return carry

            lax.fori_loop(0, RPT // ZB, zchunk, 0)

        plsc.subcore_barrier()

        base0 = wid * EPW

        def stage(st, carry):
            pltpu.sync_copy(dst_hbm.at[wid, st], idx)
            cb = base0 + st * SCH * CHUNK

            def issue(li, p):
                pltpu.async_copy(y_hbm.at[pl.ds(cb + li * CHUNK, CHUNK)], yb[p], sy[p])

            def work(li, p):
                pltpu.make_async_copy(y_hbm.at[pl.ds(0, CHUNK)], yb[p], sy[p]).wait()
                pltpu.async_copy(yb[p], acc.at[idx.at[li]], sc_sem[p], add=True)

            def refill(li, p):
                pltpu.make_async_copy(yb[p], acc.at[pl.ds(0, CHUNK)], sc_sem[p]).wait()
                issue(li, p)

            for p in range(NBUF):
                issue(p, p)

            def group(k, carry2):
                i0 = NBUF * k
                for p in range(NBUF):
                    work(i0 + p, p)

                    @pl.when(i0 + p + NBUF < SCH)
                    def _r(p=p, i=i0 + p + NBUF):
                        refill(i, p)

                return carry2

            lax.fori_loop(0, SCH // NBUF, group, 0)
            for p in range(NBUF):
                pltpu.make_async_copy(yb[p], acc.at[pl.ds(0, CHUNK)], sc_sem[p]).wait()
            return carry

        lax.fori_loop(0, NST, stage, 0)
        plsc.subcore_barrier()

        @pl.when(s < NDW)
        def _dump():
            pltpu.sync_copy(
                acc.at[pl.ds(s * RPT, RPT)], out_hbm.at[c, pl.ds(s * RPT, RPT)]
            )

    return body(y, dst3)


def _final_body(p_ref, q_ref, x_ref, gamma_ref, beta_ref, out_ref):
    h = p_ref[0] + p_ref[1] + q_ref[0] + q_ref[1]
    N = h.shape[0]
    mu = jnp.sum(h, axis=0, keepdims=True) / N
    var = jnp.sum(h * h, axis=0, keepdims=True) / N - mu * mu
    hn = (h - mu) * lax.rsqrt(var + EPS) * gamma_ref[...] + beta_ref[...]
    out_ref[...] = jax.nn.softplus(x_ref[...] + hn)


def _final(partials0, partials1, x, gamma, beta):
    N, F = x.shape
    return pl.pallas_call(
        _final_body,
        out_shape=jax.ShapeDtypeStruct((N, F), jnp.float32),
    )(partials0, partials1, x, gamma, beta)


def kernel(node_feats, edge_feats, edge_index, W_src, b_src, W_dst, b_dst,
           W_edge, b_edge, gamma_m, beta_m, gamma, beta):
    N, F = node_feats.shape
    E = edge_feats.shape[0]
    EPW = E // NW
    K = 1
    EPS_W = EPW // K
    src2 = edge_index[0].reshape(NW, K, EPS_W)
    dst2 = edge_index[1].reshape(NW, K, EPS_W)
    ef3 = edge_feats.reshape(NW, K, EPS_W, edge_feats.shape[1])
    NCH = EPS_W // CHUNK
    SCH = 50 if NCH % 50 == 0 else NCH

    h_src, h_dst = _project(
        node_feats, W_src.T, b_src.reshape(1, -1), W_dst.T, b_dst.reshape(1, -1)
    )

    weT = W_edge.T
    be = b_edge.reshape(1, -1)
    gab, efk, dst3k = [], [], []
    for k in range(K):
        efk.append(ef3[:, k].reshape(NW * EPS_W, -1))
        dst3k.append(dst2[:, k].reshape(NW, NCH // SCH, SCH, CHUNK))
        gab.append(_gather_pair(h_src, h_dst, src2[:, k], dst2[:, k]))
    stats = [
        _edge_stats(ga, gb, ef, weT, be) for (ga, gb), ef in zip(gab, efk)
    ]
    st0 = stats[0]
    st1 = stats[1] if K == 2 else jnp.zeros_like(st0)
    parts = []
    for k in range(K):
        ga, gb = gab[k]
        y = _edge_activate(
            E, ga, gb, efk[k], weT, be, st0, st1,
            gamma_m.reshape(1, -1), beta_m.reshape(1, -1),
        )
        parts.append(_scatter_sum(y, dst3k[k], N))
    p1 = parts[1] if K == 2 else jnp.zeros_like(parts[0])
    out = _final(
        parts[0], p1, node_feats, gamma.reshape(1, -1), beta.reshape(1, -1)
    )
    return out

# --- scband reference (transcript-rebuilt; emitter-appended) ---
"""Pipeline reference for scband-cgcnnconv-3496103379076 (READ-ONLY COPY).

The authoritative reference and input builder live on the scoring server;
editing this copy changes nothing except your own understanding.
"""

import jax, jax.numpy as jnp
import numpy as np

N = 10000
E = 320000
F = 128
FE = 16
EPS = 1e-5


def setup_inputs(seed: int = 0) -> dict:
    key = jax.random.key(seed)
    ks = jax.random.split(key, 12)
    node_feats = jax.random.normal(ks[0], (N, F), dtype=jnp.float32)
    edge_feats = jax.random.normal(ks[1], (E, FE), dtype=jnp.float32)
    edge_index = jax.random.randint(ks[2], (2, E), 0, N)
    s = 1.0 / np.sqrt(F)
    W_src = jax.random.uniform(ks[3], (2 * F, F), minval=-s, maxval=s, dtype=jnp.float32)
    b_src = jax.random.uniform(ks[4], (2 * F,), minval=-s, maxval=s, dtype=jnp.float32)
    W_dst = jax.random.uniform(ks[5], (2 * F, F), minval=-s, maxval=s, dtype=jnp.float32)
    b_dst = jax.random.uniform(ks[6], (2 * F,), minval=-s, maxval=s, dtype=jnp.float32)
    se = 1.0 / np.sqrt(FE)
    W_edge = jax.random.uniform(ks[7], (2 * F, FE), minval=-se, maxval=se, dtype=jnp.float32)
    b_edge = jax.random.uniform(ks[8], (2 * F,), minval=-se, maxval=se, dtype=jnp.float32)
    gamma_m = jnp.ones((2 * F,), dtype=jnp.float32)
    beta_m = jnp.zeros((2 * F,), dtype=jnp.float32)
    gamma = jnp.ones((F,), dtype=jnp.float32)
    beta = jnp.zeros((F,), dtype=jnp.float32)
    return {
        'node_feats': node_feats,
        'edge_feats': edge_feats,
        'edge_index': edge_index,
        'W_src': W_src, 'b_src': b_src,
        'W_dst': W_dst, 'b_dst': b_dst,
        'W_edge': W_edge, 'b_edge': b_edge,
        'gamma_m': gamma_m, 'beta_m': beta_m,
        'gamma': gamma, 'beta': beta,
    }


def _batchnorm(x, gamma, beta):
    mu = jnp.mean(x, axis=0)
    var = jnp.var(x, axis=0)  # biased, matches torch BN normalization in training
    return (x - mu) / jnp.sqrt(var + EPS) * gamma + beta


def reference(node_feats, edge_feats, edge_index, W_src, b_src, W_dst, b_dst, W_edge, b_edge, gamma_m, beta_m, gamma, beta):
    src = edge_index[0]
    dst = edge_index[1]
    h_src = node_feats @ W_src.T + b_src
    h_dst = node_feats @ W_dst.T + b_dst
    # u_add_v: message on each edge = h_src[src] + h_dst[dst]
    h_nodes = jnp.take(h_src, src, axis=0) + jnp.take(h_dst, dst, axis=0)
    m = h_nodes + edge_feats @ W_edge.T + b_edge
    m = _batchnorm(m, gamma_m, beta_m)
    h_f, h_s = jnp.split(m, 2, axis=1)
    m = jax.nn.sigmoid(h_f) * jax.nn.softplus(h_s)
    # copy_e + sum reduce onto destination nodes
    h = jax.ops.segment_sum(m, dst, num_segments=N)
    h = _batchnorm(h, gamma, beta)
    out = jax.nn.softplus(node_feats + h)
    return out

if __name__ == "__main__":
    import jax
    _d = setup_inputs()
    print(jax.jit(kernel)(*tuple(_d.values())))

</pallas_src>

<mosaic_0001>
#map = affine_map<(d0, d1) -> (0, 0)>
module attributes {stable_mosaic.version = 14 : i64} {
  func.func @body(%arg0: i32, %arg1: i32, %arg2: memref<10000x128xi32, #tpu.memory_space<hbm>>, %arg3: memref<10000x128xi32, #tpu.memory_space<hbm>>, %arg4: memref<32x10000xi32, #tpu.memory_space<hbm>>, %arg5: memref<32x10000xi32, #tpu.memory_space<hbm>>, %arg6: memref<320000x128xi32, #tpu.memory_space<hbm>>, %arg7: memref<320000x128xi32, #tpu.memory_space<hbm>>, %arg8: memref<10000xi32, #tpu.memory_space<vmem>>, %arg9: memref<10000xi32, #tpu.memory_space<vmem>>, %arg10: memref<80x128xi32, #tpu.memory_space<vmem>>, %arg11: memref<80x128xi32, #tpu.memory_space<vmem>>, %arg12: memref<80x128xi32, #tpu.memory_space<vmem>>, %arg13: memref<80x128xi32, #tpu.memory_space<vmem>>, %arg14: memref<80x128xi32, #tpu.memory_space<vmem>>, %arg15: memref<80x128xi32, #tpu.memory_space<vmem>>, %arg16: memref<80x128xi32, #tpu.memory_space<vmem>>, %arg17: memref<80x128xi32, #tpu.memory_space<vmem>>, %arg18: memref<80x128xi32, #tpu.memory_space<vmem>>, %arg19: memref<80x128xi32, #tpu.memory_space<vmem>>, %arg20: memref<!tpu.dma_semaphore, #tpu.memory_space<semaphore_mem>>, %arg21: memref<!tpu.dma_semaphore, #tpu.memory_space<semaphore_mem>>, %arg22: memref<!tpu.dma_semaphore, #tpu.memory_space<semaphore_mem>>, %arg23: memref<!tpu.dma_semaphore, #tpu.memory_space<semaphore_mem>>, %arg24: memref<!tpu.dma_semaphore, #tpu.memory_space<semaphore_mem>>, %arg25: memref<!tpu.dma_semaphore, #tpu.memory_space<semaphore_mem>>, %arg26: memref<!tpu.dma_semaphore, #tpu.memory_space<semaphore_mem>>, %arg27: memref<!tpu.dma_semaphore, #tpu.memory_space<semaphore_mem>>, %arg28: memref<!tpu.dma_semaphore, #tpu.memory_space<semaphore_mem>>, %arg29: memref<!tpu.dma_semaphore, #tpu.memory_space<semaphore_mem>>, %arg30: memref<!tpu.dma_semaphore, #tpu.memory_space<semaphore_mem>>, %arg31: memref<!tpu.dma_semaphore, #tpu.memory_space<semaphore_mem>>, %arg32: memref<!tpu.dma_semaphore, #tpu.memory_space<semaphore_mem>>, %arg33: memref<!tpu.dma_semaphore, #tpu.memory_space<semaphore_mem>>, %arg34: memref<!tpu.dma_semaphore, #tpu.memory_space<semaphore_mem>>, %arg35: memref<!tpu.dma_semaphore, #tpu.memory_space<semaphore_mem>>, %arg36: memref<!tpu.dma_semaphore, #tpu.memory_space<semaphore_mem>>, %arg37: memref<!tpu.dma_semaphore, #tpu.memory_space<semaphore_mem>>, %arg38: memref<!tpu.dma_semaphore, #tpu.memory_space<semaphore_mem>>, %arg39: memref<!tpu.dma_semaphore, #tpu.memory_space<semaphore_mem>>) attributes {dimension_semantics = [#tpu.dimension_semantics<core_parallel>, #tpu.dimension_semantics<subcore_parallel>], iteration_bounds = array<i64: 2, 16>, scalar_prefetch = 0 : i64, scratch_operands = 32 : i64, tpu.core_type = #tpu.core_type<sc_vector_subcore>, window_params = [{transform_indices = #map}, {transform_indices = #map}, {transform_indices = #map}, {transform_indices = #map}, {transform_indices = #map}, {transform_indices = #map}]} {
    %mul3A = arith.constant 16 : i32
    %mul3A_0 = arith.muli %arg0, %mul3A : i32
    %add3A = arith.addi %mul3A_0, %arg1 : i32
    %mul3A_1 = arith.constant 10000 : i32
    %mul3A_2 = arith.muli %add3A, %mul3A_1 : i32
    "tpu.region"() ({
      %run_scoped3A = tpu.sem_alloc : memref<!tpu.dma_semaphore, #tpu.memory_space<semaphore_mem>>
      %dma_start3A_116 = arith.constant 0 : i32
      %dma_start3A_117 = tpu.memref_slice %arg4[%add3A, %dma_start3A_116] : memref<32x10000xi32, #tpu.memory_space<hbm>> -> memref<1x10000xi32, #tpu.memory_space<hbm>>
      %dma_start3A_118 = tpu.memref_squeeze %dma_start3A_117 : memref<1x10000xi32, #tpu.memory_space<hbm>> -> memref<10000xi32, #tpu.memory_space<hbm>>
      %dma_start3A_119 = arith.constant 0 : i32
      %dma_start3A_120 = tpu.memref_slice %arg4[%add3A, %dma_start3A_119] : memref<32x10000xi32, #tpu.memory_space<hbm>> -> memref<1x10000xi32, #tpu.memory_space<hbm>>
      %dma_start3A_121 = tpu.memref_squeeze %dma_start3A_120 : memref<1x10000xi32, #tpu.memory_space<hbm>> -> memref<10000xi32, #tpu.memory_space<hbm>>
      tpu.enqueue_dma source(%dma_start3A_121 : memref<10000xi32, #tpu.memory_space<hbm>>) target(%arg8 : memref<10000xi32, #tpu.memory_space<vmem>>) target_semaphore(%run_scoped3A : memref<!tpu.dma_semaphore, #tpu.memory_space<semaphore_mem>>)
      %dma_wait3A_122 = arith.constant 0 : i32
      %dma_wait3A_123 = tpu.memref_slice %arg4[%add3A, %dma_wait3A_122] : memref<32x10000xi32, #tpu.memory_space<hbm>> -> memref<1x10000xi32, #tpu.memory_space<hbm>>
      %dma_wait3A_124 = tpu.memref_squeeze %dma_wait3A_123 : memref<1x10000xi32, #tpu.memory_space<hbm>> -> memref<10000xi32, #tpu.memory_space<hbm>>
      %dma_wait3A_125 = arith.constant 0 : i32
      %dma_wait3A_126 = tpu.memref_slice %arg4[%add3A, %dma_wait3A_125] : memref<32x10000xi32, #tpu.memory_space<hbm>> -> memref<1x10000xi32, #tpu.memory_space<hbm>>
      %dma_wait3A_127 = tpu.memref_squeeze %dma_wait3A_126 : memref<1x10000xi32, #tpu.memory_space<hbm>> -> memref<10000xi32, #tpu.memory_space<hbm>>
      tpu.wait_dma2 semaphore(%run_scoped3A : memref<!tpu.dma_semaphore, #tpu.memory_space<semaphore_mem>>) src(%dma_wait3A_127 : memref<10000xi32, #tpu.memory_space<hbm>>) dst(%arg8 : memref<10000xi32, #tpu.memory_space<vmem>>)
      tpu.yield
    }) : () -> ()
    "tpu.region"() ({
      %run_scoped3A = tpu.sem_alloc : memref<!tpu.dma_semaphore, #tpu.memory_space<semaphore_mem>>
      %dma_start3A_116 = arith.constant 0 : i32
      %dma_start3A_117 = tpu.memref_slice %arg5[%add3A, %dma_start3A_116] : memref<32x10000xi32, #tpu.memory_space<hbm>> -> memref<1x10000xi32, #tpu.memory_space<hbm>>
      %dma_start3A_118 = tpu.memref_squeeze %dma_start3A_117 : memref<1x10000xi32, #tpu.memory_space<hbm>> -> memref<10000xi32, #tpu.memory_space<hbm>>
      %dma_start3A_119 = arith.constant 0 : i32
      %dma_start3A_120 = tpu.memref_slice %arg5[%add3A, %dma_start3A_119] : memref<32x10000xi32, #tpu.memory_space<hbm>> -> memref<1x10000xi32, #tpu.memory_space<hbm>>
      %dma_start3A_121 = tpu.memref_squeeze %dma_start3A_120 : memref<1x10000xi32, #tpu.memory_space<hbm>> -> memref<10000xi32, #tpu.memory_space<hbm>>
      tpu.enqueue_dma source(%dma_start3A_121 : memref<10000xi32, #tpu.memory_space<hbm>>) target(%arg9 : memref<10000xi32, #tpu.memory_space<vmem>>) target_semaphore(%run_scoped3A : memref<!tpu.dma_semaphore, #tpu.memory_space<semaphore_mem>>)
      %dma_wait3A_122 = arith.constant 0 : i32
      %dma_wait3A_123 = tpu.memref_slice %arg5[%add3A, %dma_wait3A_122] : memref<32x10000xi32, #tpu.memory_space<hbm>> -> memref<1x10000xi32, #tpu.memory_space<hbm>>
      %dma_wait3A_124 = tpu.memref_squeeze %dma_wait3A_123 : memref<1x10000xi32, #tpu.memory_space<hbm>> -> memref<10000xi32, #tpu.memory_space<hbm>>
      %dma_wait3A_125 = arith.constant 0 : i32
      %dma_wait3A_126 = tpu.memref_slice %arg5[%add3A, %dma_wait3A_125] : memref<32x10000xi32, #tpu.memory_space<hbm>> -> memref<1x10000xi32, #tpu.memory_space<hbm>>
      %dma_wait3A_127 = tpu.memref_squeeze %dma_wait3A_126 : memref<1x10000xi32, #tpu.memory_space<hbm>> -> memref<10000xi32, #tpu.memory_space<hbm>>
      tpu.wait_dma2 semaphore(%run_scoped3A : memref<!tpu.dma_semaphore, #tpu.memory_space<semaphore_mem>>) src(%dma_wait3A_127 : memref<10000xi32, #tpu.memory_space<hbm>>) dst(%arg9 : memref<10000xi32, #tpu.memory_space<vmem>>)
      tpu.yield
    }) : () -> ()
    %dma_start3A = arith.constant 0 : i32
    %dma_start3A_3 = tpu.memref_slice %arg8[%dma_start3A] : memref<10000xi32, #tpu.memory_space<vmem>> -> memref<80xi32, #tpu.memory_space<vmem>>
    %dma_start3A_4 = arith.constant 0 : i32
    %dma_start3A_5 = arith.constant 0 : i32
    %dma_start3A_6 = tpu.memref_slice %arg2[%dma_start3A_4, %dma_start3A_5] : memref<10000x128xi32, #tpu.memory_space<hbm>> -> memref<10000x128xi32, #tpu.memory_space<hbm>>
    tpu.enqueue_indirect_dma source(%dma_start3A_6 : memref<10000x128xi32, #tpu.memory_space<hbm>>) target(%arg10 : memref<80x128xi32, #tpu.memory_space<vmem>>) offsets(%dma_start3A_3 : memref<80xi32, #tpu.memory_space<vmem>>) semaphore(%arg20 : memref<!tpu.dma_semaphore, #tpu.memory_space<semaphore_mem>>)
    %dma_start3A_7 = arith.constant 0 : i32
    %dma_start3A_8 = tpu.memref_slice %arg9[%dma_start3A_7] : memref<10000xi32, #tpu.memory_space<vmem>> -> memref<80xi32, #tpu.memory_space<vmem>>
    %dma_start3A_9 = arith.constant 0 : i32
    %dma_start3A_10 = arith.constant 0 : i32
    %dma_start3A_11 = tpu.memref_slice %arg3[%dma_start3A_9, %dma_start3A_10] : memref<10000x128xi32, #tpu.memory_space<hbm>> -> memref<10000x128xi32, #tpu.memory_space<hbm>>
    tpu.enqueue_indirect_dma source(%dma_start3A_11 : memref<10000x128xi32, #tpu.memory_space<hbm>>) target(%arg15 : memref<80x128xi32, #tpu.memory_space<vmem>>) offsets(%dma_start3A_8 : memref<80xi32, #tpu.memory_space<vmem>>) semaphore(%arg25 : memref<!tpu.dma_semaphore, #tpu.memory_space<semaphore_mem>>)
    %dma_start3A_12 = arith.constant 80 : i32
    %dma_start3A_13 = tpu.memref_slice %arg8[%dma_start3A_12] : memref<10000xi32, #tpu.memory_space<vmem>> -> memref<80xi32, #tpu.memory_space<vmem>>
    %dma_start3A_14 = arith.constant 0 : i32
    %dma_start3A_15 = arith.constant 0 : i32
    %dma_start3A_16 = tpu.memref_slice %arg2[%dma_start3A_14, %dma_start3A_15] : memref<10000x128xi32, #tpu.memory_space<hbm>> -> memref<10000x128xi32, #tpu.memory_space<hbm>>
    tpu.enqueue_indirect_dma source(%dma_start3A_16 : memref<10000x128xi32, #tpu.memory_space<hbm>>) target(%arg11 : memref<80x128xi32, #tpu.memory_space<vmem>>) offsets(%dma_start3A_13 : memref<80xi32, #tpu.memory_space<vmem>>) semaphore(%arg21 : memref<!tpu.dma_semaphore, #tpu.memory_space<semaphore_mem>>)
    %dma_start3A_17 = arith.constant 80 : i32
    %dma_start3A_18 = tpu.memref_slice %arg9[%dma_start3A_17] : memref<10000xi32, #tpu.memory_space<vmem>> -> memref<80xi32, #tpu.memory_space<vmem>>
    %dma_start3A_19 = arith.constant 0 : i32
    %dma_start3A_20 = arith.constant 0 : i32
    %dma_start3A_21 = tpu.memref_slice %arg3[%dma_start3A_19, %dma_start3A_20] : memref<10000x128xi32, #tpu.memory_space<hbm>> -> memref<10000x128xi32, #tpu.memory_space<hbm>>
    tpu.enqueue_indirect_dma source(%dma_start3A_21 : memref<10000x128xi32, #tpu.memory_space<hbm>>) target(%arg16 : memref<80x128xi32, #tpu.memory_space<vmem>>) offsets(%dma_start3A_18 : memref<80xi32, #tpu.memory_space<vmem>>) semaphore(%arg26 : memref<!tpu.dma_semaphore, #tpu.memory_space<semaphore_mem>>)
    %dma_start3A_22 = arith.constant 160 : i32
    %dma_start3A_23 = tpu.memref_slice %arg8[%dma_start3A_22] : memref<10000xi32, #tpu.memory_space<vmem>> -> memref<80xi32, #tpu.memory_space<vmem>>
    %dma_start3A_24 = arith.constant 0 : i32
    %dma_start3A_25 = arith.constant 0 : i32
    %dma_start3A_26 = tpu.memref_slice %arg2[%dma_start3A_24, %dma_start3A_25] : memref<10000x128xi32, #tpu.memory_space<hbm>> -> memref<10000x128xi32, #tpu.memory_space<hbm>>
    tpu.enqueue_indirect_dma source(%dma_start3A_26 : memref<10000x128xi32, #tpu.memory_space<hbm>>) target(%arg12 : memref<80x128xi32, #tpu.memory_space<vmem>>) offsets(%dma_start3A_23 : memref<80xi32, #tpu.memory_space<vmem>>) semaphore(%arg22 : memref<!tpu.dma_semaphore, #tpu.memory_space<semaphore_mem>>)
    %dma_start3A_27 = arith.constant 160 : i32
    %dma_start3A_28 = tpu.memref_slice %arg9[%dma_start3A_27] : memref<10000xi32, #tpu.memory_space<vmem>> -> memref<80xi32, #tpu.memory_space<vmem>>
    %dma_start3A_29 = arith.constant 0 : i32
    %dma_start3A_30 = arith.constant 0 : i32
    %dma_start3A_31 = tpu.memref_slice %arg3[%dma_start3A_29, %dma_start3A_30] : memref<10000x128xi32, #tpu.memory_space<hbm>> -> memref<10000x128xi32, #tpu.memory_space<hbm>>
    tpu.enqueue_indirect_dma source(%dma_start3A_31 : memref<10000x128xi32, #tpu.memory_space<hbm>>) target(%arg17 : memref<80x128xi32, #tpu.memory_space<vmem>>) offsets(%dma_start3A_28 : memref<80xi32, #tpu.memory_space<vmem>>) semaphore(%arg27 : memref<!tpu.dma_semaphore, #tpu.memory_space<semaphore_mem>>)
    %dma_start3A_32 = arith.constant 240 : i32
    %dma_start3A_33 = tpu.memref_slice %arg8[%dma_start3A_32] : memref<10000xi32, #tpu.memory_space<vmem>> -> memref<80xi32, #tpu.memory_space<vmem>>
    %dma_start3A_34 = arith.constant 0 : i32
    %dma_start3A_35 = arith.constant 0 : i32
    %dma_start3A_36 = tpu.memref_slice %arg2[%dma_start3A_34, %dma_start3A_35] : memref<10000x128xi32, #tpu.memory_space<hbm>> -> memref<10000x128xi32, #tpu.memory_space<hbm>>
    tpu.enqueue_indirect_dma source(%dma_start3A_36 : memref<10000x128xi32, #tpu.memory_space<hbm>>) target(%arg13 : memref<80x128xi32, #tpu.memory_space<vmem>>) offsets(%dma_start3A_33 : memref<80xi32, #tpu.memory_space<vmem>>) semaphore(%arg23 : memref<!tpu.dma_semaphore, #tpu.memory_space<semaphore_mem>>)
    %dma_start3A_37 = arith.constant 240 : i32
    %dma_start3A_38 = tpu.memref_slice %arg9[%dma_start3A_37] : memref<10000xi32, #tpu.memory_space<vmem>> -> memref<80xi32, #tpu.memory_space<vmem>>
    %dma_start3A_39 = arith.constant 0 : i32
    %dma_start3A_40 = arith.constant 0 : i32
    %dma_start3A_41 = tpu.memref_slice %arg3[%dma_start3A_39, %dma_start3A_40] : memref<10000x128xi32, #tpu.memory_space<hbm>> -> memref<10000x128xi32, #tpu.memory_space<hbm>>
    tpu.enqueue_indirect_dma source(%dma_start3A_41 : memref<10000x128xi32, #tpu.memory_space<hbm>>) target(%arg18 : memref<80x128xi32, #tpu.memory_space<vmem>>) offsets(%dma_start3A_38 : memref<80xi32, #tpu.memory_space<vmem>>) semaphore(%arg28 : memref<!tpu.dma_semaphore, #tpu.memory_space<semaphore_mem>>)
    %dma_start3A_42 = arith.constant 320 : i32
    %dma_start3A_43 = tpu.memref_slice %arg8[%dma_start3A_42] : memref<10000xi32, #tpu.memory_space<vmem>> -> memref<80xi32, #tpu.memory_space<vmem>>
    %dma_start3A_44 = arith.constant 0 : i32
    %dma_start3A_45 = arith.constant 0 : i32
    %dma_start3A_46 = tpu.memref_slice %arg2[%dma_start3A_44, %dma_start3A_45] : memref<10000x128xi32, #tpu.memory_space<hbm>> -> memref<10000x128xi32, #tpu.memory_space<hbm>>
    tpu.enqueue_indirect_dma source(%dma_start3A_46 : memref<10000x128xi32, #tpu.memory_space<hbm>>) target(%arg14 : memref<80x128xi32, #tpu.memory_space<vmem>>) offsets(%dma_start3A_43 : memref<80xi32, #tpu.memory_space<vmem>>) semaphore(%arg24 : memref<!tpu.dma_semaphore, #tpu.memory_space<semaphore_mem>>)
    %dma_start3A_47 = arith.constant 320 : i32
    %dma_start3A_48 = tpu.memref_slice %arg9[%dma_start3A_47] : memref<10000xi32, #tpu.memory_space<vmem>> -> memref<80xi32, #tpu.memory_space<vmem>>
    %dma_start3A_49 = arith.constant 0 : i32
    %dma_start3A_50 = arith.constant 0 : i32
    %dma_start3A_51 = tpu.memref_slice %arg3[%dma_start3A_49, %dma_start3A_50] : memref<10000x128xi32, #tpu.memory_space<hbm>> -> memref<10000x128xi32, #tpu.memory_space<hbm>>
    tpu.enqueue_indirect_dma source(%dma_start3A_51 : memref<10000x128xi32, #tpu.memory_space<hbm>>) target(%arg19 : memref<80x128xi32, #tpu.memory_space<vmem>>) offsets(%dma_start3A_48 : memref<80xi32, #tpu.memory_space<vmem>>) semaphore(%arg29 : memref<!tpu.dma_semaphore, #tpu.memory_space<semaphore_mem>>)
    %scan3A = arith.constant 0 : i32
    %scan3A_52 = arith.constant 0 : i32
    %scan3A_53 = arith.constant 25 : i32
    %scan3A_54 = arith.addi %scan3A_52, %scan3A_53 : i32
    %scan3A_55 = arith.constant 1 : i32
    scf.for %scan3A_116 = %scan3A_52 to %scan3A_54 step %scan3A_55  : i32 {
      %mul3A_117 = arith.constant 5 : i32
      %mul3A_118 = arith.muli %mul3A_117, %scan3A_116 : i32
      %add3A_119 = arith.constant 0 : i32
      %add3A_120 = arith.addi %mul3A_118, %add3A_119 : i32
      %dma_wait3A_121 = arith.constant 0 : i32
      %dma_wait3A_122 = arith.constant 0 : i32
      %dma_wait3A_123 = tpu.memref_slice %arg2[%dma_wait3A_121, %dma_wait3A_122] : memref<10000x128xi32, #tpu.memory_space<hbm>> -> memref<80x128xi32, #tpu.memory_space<hbm>>
      %dma_wait3A_124 = arith.constant 0 : i32
      %dma_wait3A_125 = arith.constant 0 : i32
      %dma_wait3A_126 = tpu.memref_slice %arg2[%dma_wait3A_124, %dma_wait3A_125] : memref<10000x128xi32, #tpu.memory_space<hbm>> -> memref<80x128xi32, #tpu.memory_space<hbm>>
      tpu.wait_dma2 semaphore(%arg20 : memref<!tpu.dma_semaphore, #tpu.memory_space<semaphore_mem>>) src(%dma_wait3A_126 : memref<80x128xi32, #tpu.memory_space<hbm>>) dst(%arg10 : memref<80x128xi32, #tpu.memory_space<vmem>>)
      %dma_wait3A_127 = arith.constant 0 : i32
      %dma_wait3A_128 = arith.constant 0 : i32
      %dma_wait3A_129 = tpu.memref_slice %arg3[%dma_wait3A_127, %dma_wait3A_128] : memref<10000x128xi32, #tpu.memory_space<hbm>> -> memref<80x128xi32, #tpu.memory_space<hbm>>
      %dma_wait3A_130 = arith.constant 0 : i32
      %dma_wait3A_131 = arith.constant 0 : i32
      %dma_wait3A_132 = tpu.memref_slice %arg3[%dma_wait3A_130, %dma_wait3A_131] : memref<10000x128xi32, #tpu.memory_space<hbm>> -> memref<80x128xi32, #tpu.memory_space<hbm>>
      tpu.wait_dma2 semaphore(%arg25 : memref<!tpu.dma_semaphore, #tpu.memory_space<semaphore_mem>>) src(%dma_wait3A_132 : memref<80x128xi32, #tpu.memory_space<hbm>>) dst(%arg15 : memref<80x128xi32, #tpu.memory_space<vmem>>)
      %mul3A_133 = arith.constant 80 : i32
      %mul3A_134 = arith.muli %add3A_120, %mul3A_133 : i32
      %add3A_135 = arith.addi %mul3A_2, %mul3A_134 : i32
      %dma_start3A_136 = arith.constant 0 : i32
      %dma_start3A_137 = tpu.memref_slice %arg6[%add3A_135, %dma_start3A_136] : memref<320000x128xi32, #tpu.memory_space<hbm>> -> memref<80x128xi32, #tpu.memory_space<hbm>>
      %dma_start3A_138 = arith.constant 0 : i32
      %dma_start3A_139 = tpu.memref_slice %arg6[%add3A_135, %dma_start3A_138] : memref<320000x128xi32, #tpu.memory_space<hbm>> -> memref<80x128xi32, #tpu.memory_space<hbm>>
      tpu.enqueue_dma source(%arg10 : memref<80x128xi32, #tpu.memory_space<vmem>>) target(%dma_start3A_139 : memref<80x128xi32, #tpu.memory_space<hbm>>) target_semaphore(%arg30 : memref<!tpu.dma_semaphore, #tpu.memory_space<semaphore_mem>>)
      %dma_start3A_140 = arith.constant 0 : i32
      %dma_start3A_141 = tpu.memref_slice %arg7[%add3A_135, %dma_start3A_140] : memref<320000x128xi32, #tpu.memory_space<hbm>> -> memref<80x128xi32, #tpu.memory_space<hbm>>
      %dma_start3A_142 = arith.constant 0 : i32
      %dma_start3A_143 = tpu.memref_slice %arg7[%add3A_135, %dma_start3A_142] : memref<320000x128xi32, #tpu.memory_space<hbm>> -> memref<80x128xi32, #tpu.memory_space<hbm>>
      tpu.enqueue_dma source(%arg15 : memref<80x128xi32, #tpu.memory_space<vmem>>) target(%dma_start3A_143 : memref<80x128xi32, #tpu.memory_space<hbm>>) target_semaphore(%arg35 : memref<!tpu.dma_semaphore, #tpu.memory_space<semaphore_mem>>)
      %add3A_144 = arith.constant 0 : i32
      %add3A_145 = arith.addi %mul3A_118, %add3A_144 : i32
      %add3A_146 = arith.constant 5 : i32
      %add3A_147 = arith.addi %add3A_145, %add3A_146 : i32
      %lt3A = arith.constant 125 : i32
      %lt3A_148 = arith.cmpi slt, %add3A_147, %lt3A : i32
      %add3A_149 = arith.constant 0 : i32
      %add3A_150 = arith.addi %mul3A_118, %add3A_149 : i32
      %add3A_151 = arith.constant 5 : i32
      %add3A_152 = arith.addi %add3A_150, %add3A_151 : i32
      %convert_element_type3A = arith.extui %lt3A_148 : i1 to i32
      %cond3A = arith.constant 0 : i32
      %cond3A_153 = arith.cmpi ne, %convert_element_type3A, %cond3A : i32
      scf.if %cond3A_153 {
        %dma_wait3A_306 = arith.constant 0 : i32
        %dma_wait3A_307 = arith.constant 0 : i32
        %dma_wait3A_308 = tpu.memref_slice %arg6[%dma_wait3A_306, %dma_wait3A_307] : memref<320000x128xi32, #tpu.memory_space<hbm>> -> memref<80x128xi32, #tpu.memory_space<hbm>>
        %dma_wait3A_309 = arith.constant 0 : i32
        %dma_wait3A_310 = arith.constant 0 : i32
        %dma_wait3A_311 = tpu.memref_slice %arg6[%dma_wait3A_309, %dma_wait3A_310] : memref<320000x128xi32, #tpu.memory_space<hbm>> -> memref<80x128xi32, #tpu.memory_space<hbm>>
        tpu.wait_dma2 semaphore(%arg30 : memref<!tpu.dma_semaphore, #tpu.memory_space<semaphore_mem>>) src(%dma_wait3A_311 : memref<80x128xi32, #tpu.memory_space<hbm>>) dst(%arg10 : memref<80x128xi32, #tpu.memory_space<vmem>>)
        %dma_wait3A_312 = arith.constant 0 : i32
        %dma_wait3A_313 = arith.constant 0 : i32
        %dma_wait3A_314 = tpu.memref_slice %arg7[%dma_wait3A_312, %dma_wait3A_313] : memref<320000x128xi32, #tpu.memory_space<hbm>> -> memref<80x128xi32, #tpu.memory_space<hbm>>
        %dma_wait3A_315 = arith.constant 0 : i32
        %dma_wait3A_316 = arith.constant 0 : i32
        %dma_wait3A_317 = tpu.memref_slice %arg7[%dma_wait3A_315, %dma_wait3A_316] : memref<320000x128xi32, #tpu.memory_space<hbm>> -> memref<80x128xi32, #tpu.memory_space<hbm>>
        tpu.wait_dma2 semaphore(%arg35 : memref<!tpu.dma_semaphore, #tpu.memory_space<semaphore_mem>>) src(%dma_wait3A_317 : memref<80x128xi32, #tpu.memory_space<hbm>>) dst(%arg15 : memref<80x128xi32, #tpu.memory_space<vmem>>)
        %mul3A_318 = arith.constant 80 : i32
        %mul3A_319 = arith.muli %add3A_152, %mul3A_318 : i32
        %dma_start3A_320 = tpu.memref_slice %arg8[%mul3A_319] : memref<10000xi32, #tpu.memory_space<vmem>> -> memref<80xi32, #tpu.memory_space<vmem>>
        %dma_start3A_321 = arith.constant 0 : i32
        %dma_start3A_322 = arith.constant 0 : i32
        %dma_start3A_323 = tpu.memref_slice %arg2[%dma_start3A_321, %dma_start3A_322] : memref<10000x128xi32, #tpu.memory_space<hbm>> -> memref<10000x128xi32, #tpu.memory_space<hbm>>
        tpu.enqueue_indirect_dma source(%dma_start3A_323 : memref<10000x128xi32, #tpu.memory_space<hbm>>) target(%arg10 : memref<80x128xi32, #tpu.memory_space<vmem>>) offsets(%dma_start3A_320 : memref<80xi32, #tpu.memory_space<vmem>>) semaphore(%arg20 : memref<!tpu.dma_semaphore, #tpu.memory_space<semaphore_mem>>)
        %dma_start3A_324 = tpu.memref_slice %arg9[%mul3A_319] : memref<10000xi32, #tpu.memory_space<vmem>> -> memref<80xi32, #tpu.memory_space<vmem>>
        %dma_start3A_325 = arith.constant 0 : i32
        %dma_start3A_326 = arith.constant 0 : i32
        %dma_start3A_327 = tpu.memref_slice %arg3[%dma_start3A_325, %dma_start3A_326] : memref<10000x128xi32, #tpu.memory_space<hbm>> -> memref<10000x128xi32, #tpu.memory_space<hbm>>
        tpu.enqueue_indirect_dma source(%dma_start3A_327 : memref<10000x128xi32, #tpu.memory_space<hbm>>) target(%arg15 : memref<80x128xi32, #tpu.memory_space<vmem>>) offsets(%dma_start3A_324 : memref<80xi32, #tpu.memory_space<vmem>>) semaphore(%arg25 : memref<!tpu.dma_semaphore, #tpu.memory_space<semaphore_mem>>)
      } else {
      }
      %add3A_154 = arith.constant 1 : i32
      %add3A_155 = arith.addi %mul3A_118, %add3A_154 : i32
      %dma_wait3A_156 = arith.constant 0 : i32
      %dma_wait3A_157 = arith.constant 0 : i32
      %dma_wait3A_158 = tpu.memref_slice %arg2[%dma_wait3A_156, %dma_wait3A_157] : memref<10000x128xi32, #tpu.memory_space<hbm>> -> memref<80x128xi32, #tpu.memory_space<hbm>>
      %dma_wait3A_159 = arith.constant 0 : i32
      %dma_wait3A_160 = arith.constant 0 : i32
      %dma_wait3A_161 = tpu.memref_slice %arg2[%dma_wait3A_159, %dma_wait3A_160] : memref<10000x128xi32, #tpu.memory_space<hbm>> -> memref<80x128xi32, #tpu.memory_space<hbm>>
      tpu.wait_dma2 semaphore(%arg21 : memref<!tpu.dma_semaphore, #tpu.memory_space<semaphore_mem>>) src(%dma_wait3A_161 : memref<80x128xi32, #tpu.memory_space<hbm>>) dst(%arg11 : memref<80x128xi32, #tpu.memory_space<vmem>>)
      %dma_wait3A_162 = arith.constant 0 : i32
      %dma_wait3A_163 = arith.constant 0 : i32
      %dma_wait3A_164 = tpu.memref_slice %arg3[%dma_wait3A_162, %dma_wait3A_163] : memref<10000x128xi32, #tpu.memory_space<hbm>> -> memref<80x128xi32, #tpu.memory_space<hbm>>
      %dma_wait3A_165 = arith.constant 0 : i32
      %dma_wait3A_166 = arith.constant 0 : i32
      %dma_wait3A_167 = tpu.memref_slice %arg3[%dma_wait3A_165, %dma_wait3A_166] : memref<10000x128xi32, #tpu.memory_space<hbm>> -> memref<80x128xi32, #tpu.memory_space<hbm>>
      tpu.wait_dma2 semaphore(%arg26 : memref<!tpu.dma_semaphore, #tpu.memory_space<semaphore_mem>>) src(%dma_wait3A_167 : memref<80x128xi32, #tpu.memory_space<hbm>>) dst(%arg16 : memref<80x128xi32, #tpu.memory_space<vmem>>)
      %mul3A_168 = arith.constant 80 : i32
      %mul3A_169 = arith.muli %add3A_155, %mul3A_168 : i32
      %add3A_170 = arith.addi %mul3A_2, %mul3A_169 : i32
      %dma_start3A_171 = arith.constant 0 : i32
      %dma_start3A_172 = tpu.memref_slice %arg6[%add3A_170, %dma_start3A_171] : memref<320000x128xi32, #tpu.memory_space<hbm>> -> memref<80x128xi32, #tpu.memory_space<hbm>>
      %dma_start3A_173 = arith.constant 0 : i32
      %dma_start3A_174 = tpu.memref_slice %arg6[%add3A_170, %dma_start3A_173] : memref<320000x128xi32, #tpu.memory_space<hbm>> -> memref<80x128xi32, #tpu.memory_space<hbm>>
      tpu.enqueue_dma source(%arg11 : memref<80x128xi32, #tpu.memory_space<vmem>>) target(%dma_start3A_174 : memref<80x128xi32, #tpu.memory_space<hbm>>) target_semaphore(%arg31 : memref<!tpu.dma_semaphore, #tpu.memory_space<semaphore_mem>>)
      %dma_start3A_175 = arith.constant 0 : i32
      %dma_start3A_176 = tpu.memref_slice %arg7[%add3A_170, %dma_start3A_175] : memref<320000x128xi32, #tpu.memory_space<hbm>> -> memref<80x128xi32, #tpu.memory_space<hbm>>
      %dma_start3A_177 = arith.constant 0 : i32
      %dma_start3A_178 = tpu.memref_slice %arg7[%add3A_170, %dma_start3A_177] : memref<320000x128xi32, #tpu.memory_space<hbm>> -> memref<80x128xi32, #tpu.memory_space<hbm>>
      tpu.enqueue_dma source(%arg16 : memref<80x128xi32, #tpu.memory_space<vmem>>) target(%dma_start3A_178 : memref<80x128xi32, #tpu.memory_space<hbm>>) target_semaphore(%arg36 : memref<!tpu.dma_semaphore, #tpu.memory_space<semaphore_mem>>)
      %add3A_179 = arith.constant 1 : i32
      %add3A_180 = arith.addi %mul3A_118, %add3A_179 : i32
      %add3A_181 = arith.constant 5 : i32
      %add3A_182 = arith.addi %add3A_180, %add3A_181 : i32
      %lt3A_183 = arith.constant 125 : i32
      %lt3A_184 = arith.cmpi slt, %add3A_182, %lt3A_183 : i32
      %add3A_185 = arith.constant 1 : i32
      %add3A_186 = arith.addi %mul3A_118, %add3A_185 : i32
      %add3A_187 = arith.constant 5 : i32
      %add3A_188 = arith.addi %add3A_186, %add3A_187 : i32
      %convert_element_type3A_189 = arith.extui %lt3A_184 : i1 to i32
      %cond3A_190 = arith.constant 0 : i32
      %cond3A_191 = arith.cmpi ne, %convert_element_type3A_189, %cond3A_190 : i32
      scf.if %cond3A_191 {
        %dma_wait3A_306 = arith.constant 0 : i32
        %dma_wait3A_307 = arith.constant 0 : i32
        %dma_wait3A_308 = tpu.memref_slice %arg6[%dma_wait3A_306, %dma_wait3A_307] : memref<320000x128xi32, #tpu.memory_space<hbm>> -> memref<80x128xi32, #tpu.memory_space<hbm>>
        %dma_wait3A_309 = arith.constant 0 : i32
        %dma_wait3A_310 = arith.constant 0 : i32
        %dma_wait3A_311 = tpu.memref_slice %arg6[%dma_wait3A_309, %dma_wait3A_310] : memref<320000x128xi32, #tpu.memory_space<hbm>> -> memref<80x128xi32, #tpu.memory_space<hbm>>
        tpu.wait_dma2 semaphore(%arg31 : memref<!tpu.dma_semaphore, #tpu.memory_space<semaphore_mem>>) src(%dma_wait3A_311 : memref<80x128xi32, #tpu.memory_space<hbm>>) dst(%arg11 : memref<80x128xi32, #tpu.memory_space<vmem>>)
        %dma_wait3A_312 = arith.constant 0 : i32
        %dma_wait3A_313 = arith.constant 0 : i32
        %dma_wait3A_314 = tpu.memref_slice %arg7[%dma_wait3A_312, %dma_wait3A_313] : memref<320000x128xi32, #tpu.memory_space<hbm>> -> memref<80x128xi32, #tpu.memory_space<hbm>>
        %dma_wait3A_315 = arith.constant 0 : i32
        %dma_wait3A_316 = arith.constant 0 : i32
        %dma_wait3A_317 = tpu.memref_slice %arg7[%dma_wait3A_315, %dma_wait3A_316] : memref<320000x128xi32, #tpu.memory_space<hbm>> -> memref<80x128xi32, #tpu.memory_space<hbm>>
        tpu.wait_dma2 semaphore(%arg36 : memref<!tpu.dma_semaphore, #tpu.memory_space<semaphore_mem>>) src(%dma_wait3A_317 : memref<80x128xi32, #tpu.memory_space<hbm>>) dst(%arg16 : memref<80x128xi32, #tpu.memory_space<vmem>>)
        %mul3A_318 = arith.constant 80 : i32
        %mul3A_319 = arith.muli %add3A_188, %mul3A_318 : i32
        %dma_start3A_320 = tpu.memref_slice %arg8[%mul3A_319] : memref<10000xi32, #tpu.memory_space<vmem>> -> memref<80xi32, #tpu.memory_space<vmem>>
        %dma_start3A_321 = arith.constant 0 : i32
        %dma_start3A_322 = arith.constant 0 : i32
        %dma_start3A_323 = tpu.memref_slice %arg2[%dma_start3A_321, %dma_start3A_322] : memref<10000x128xi32, #tpu.memory_space<hbm>> -> memref<10000x128xi32, #tpu.memory_space<hbm>>
        tpu.enqueue_indirect_dma source(%dma_start3A_323 : memref<10000x128xi32, #tpu.memory_space<hbm>>) target(%arg11 : memref<80x128xi32, #tpu.memory_space<vmem>>) offsets(%dma_start3A_320 : memref<80xi32, #tpu.memory_space<vmem>>) semaphore(%arg21 : memref<!tpu.dma_semaphore, #tpu.memory_space<semaphore_mem>>)
        %dma_start3A_324 = tpu.memref_slice %arg9[%mul3A_319] : memref<10000xi32, #tpu.memory_space<vmem>> -> memref<80xi32, #tpu.memory_space<vmem>>
        %dma_start3A_325 = arith.constant 0 : i32
        %dma_start3A_326 = arith.constant 0 : i32
        %dma_start3A_327 = tpu.memref_slice %arg3[%dma_start3A_325, %dma_start3A_326] : memref<10000x128xi32, #tpu.memory_space<hbm>> -> memref<10000x128xi32, #tpu.memory_space<hbm>>
        tpu.enqueue_indirect_dma source(%dma_start3A_327 : memref<10000x128xi32, #tpu.memory_space<hbm>>) target(%arg16 : memref<80x128xi32, #tpu.memory_space<vmem>>) offsets(%dma_start3A_324 : memref<80xi32, #tpu.memory_space<vmem>>) semaphore(%arg26 : memref<!tpu.dma_semaphore, #tpu.memory_space<semaphore_mem>>)
      } else {
      }
      %add3A_192 = arith.constant 2 : i32
      %add3A_193 = arith.addi %mul3A_118, %add3A_192 : i32
      %dma_wait3A_194 = arith.constant 0 : i32
      %dma_wait3A_195 = arith.constant 0 : i32
      %dma_wait3A_196 = tpu.memref_slice %arg2[%dma_wait3A_194, %dma_wait3A_195] : memref<10000x128xi32, #tpu.memory_space<hbm>> -> memref<80x128xi32, #tpu.memory_space<hbm>>
      %dma_wait3A_197 = arith.constant 0 : i32
      %dma_wait3A_198 = arith.constant 0 : i32
      %dma_wait3A_199 = tpu.memref_slice %arg2[%dma_wait3A_197, %dma_wait3A_198] : memref<10000x128xi32, #tpu.memory_space<hbm>> -> memref<80x128xi32, #tpu.memory_space<hbm>>
      tpu.wait_dma2 semaphore(%arg22 : memref<!tpu.dma_semaphore, #tpu.memory_space<semaphore_mem>>) src(%dma_wait3A_199 : memref<80x128xi32, #tpu.memory_space<hbm>>) dst(%arg12 : memref<80x128xi32, #tpu.memory_space<vmem>>)
      %dma_wait3A_200 = arith.constant 0 : i32
      %dma_wait3A_201 = arith.constant 0 : i32
      %dma_wait3A_202 = tpu.memref_slice %arg3[%dma_wait3A_200, %dma_wait3A_201] : memref<10000x128xi32, #tpu.memory_space<hbm>> -> memref<80x128xi32, #tpu.memory_space<hbm>>
      %dma_wait3A_203 = arith.constant 0 : i32
      %dma_wait3A_204 = arith.constant 0 : i32
      %dma_wait3A_205 = tpu.memref_slice %arg3[%dma_wait3A_203, %dma_wait3A_204] : memref<10000x128xi32, #tpu.memory_space<hbm>> -> memref<80x128xi32, #tpu.memory_space<hbm>>
      tpu.wait_dma2 semaphore(%arg27 : memref<!tpu.dma_semaphore, #tpu.memory_space<semaphore_mem>>) src(%dma_wait3A_205 : memref<80x128xi32, #tpu.memory_space<hbm>>) dst(%arg17 : memref<80x128xi32, #tpu.memory_space<vmem>>)
      %mul3A_206 = arith.constant 80 : i32
      %mul3A_207 = arith.muli %add3A_193, %mul3A_206 : i32
      %add3A_208 = arith.addi %mul3A_2, %mul3A_207 : i32
      %dma_start3A_209 = arith.constant 0 : i32
      %dma_start3A_210 = tpu.memref_slice %arg6[%add3A_208, %dma_start3A_209] : memref<320000x128xi32, #tpu.memory_space<hbm>> -> memref<80x128xi32, #tpu.memory_space<hbm>>
      %dma_start3A_211 = arith.constant 0 : i32
      %dma_start3A_212 = tpu.memref_slice %arg6[%add3A_208, %dma_start3A_211] : memref<320000x128xi32, #tpu.memory_space<hbm>> -> memref<80x128xi32, #tpu.memory_space<hbm>>
      tpu.enqueue_dma source(%arg12 : memref<80x128xi32, #tpu.memory_space<vmem>>) target(%dma_start3A_212 : memref<80x128xi32, #tpu.memory_space<hbm>>) target_semaphore(%arg32 : memref<!tpu.dma_semaphore, #tpu.memory_space<semaphore_mem>>)
      %dma_start3A_213 = arith.constant 0 : i32
      %dma_start3A_214 = tpu.memref_slice %arg7[%add3A_208, %dma_start3A_213] : memref<320000x128xi32, #tpu.memory_space<hbm>> -> memref<80x128xi32, #tpu.memory_space<hbm>>
      %dma_start3A_215 = arith.constant 0 : i32
      %dma_start3A_216 = tpu.memref_slice %arg7[%add3A_208, %dma_start3A_215] : memref<320000x128xi32, #tpu.memory_space<hbm>> -> memref<80x128xi32, #tpu.memory_space<hbm>>
      tpu.enqueue_dma source(%arg17 : memref<80x128xi32, #tpu.memory_space<vmem>>) target(%dma_start3A_216 : memref<80x128xi32, #tpu.memory_space<hbm>>) target_semaphore(%arg37 : memref<!tpu.dma_semaphore, #tpu.memory_space<semaphore_mem>>)
      %add3A_217 = arith.constant 2 : i32
      %add3A_218 = arith.addi %mul3A_118, %add3A_217 : i32
      %add3A_219 = arith.constant 5 : i32
      %add3A_220 = arith.addi %add3A_218, %add3A_219 : i32
      %lt3A_221 = arith.constant 125 : i32
      %lt3A_222 = arith.cmpi slt, %add3A_220, %lt3A_221 : i32
      %add3A_223 = arith.constant 2 : i32
      %add3A_224 = arith.addi %mul3A_118, %add3A_223 : i32
      %add3A_225 = arith.constant 5 : i32
      %add3A_226 = arith.addi %add3A_224, %add3A_225 : i32
      %convert_element_type3A_227 = arith.extui %lt3A_222 : i1 to i32
      %cond3A_228 = arith.constant 0 : i32
      %cond3A_229 = arith.cmpi ne, %convert_element_type3A_227, %cond3A_228 : i32
      scf.if %cond3A_229 {
        %dma_wait3A_306 = arith.constant 0 : i32
        %dma_wait3A_307 = arith.constant 0 : i32
        %dma_wait3A_308 = tpu.memref_slice %arg6[%dma_wait3A_306, %dma_wait3A_307] : memref<320000x128xi32, #tpu.memory_space<hbm>> -> memref<80x128xi32, #tpu.memory_space<hbm>>
        %dma_wait3A_309 = arith.constant 0 : i32
        %dma_wait3A_310 = arith.constant 0 : i32
        %dma_wait3A_311 = tpu.memref_slice %arg6[%dma_wait3A_309, %dma_wait3A_310] : memref<320000x128xi32, #tpu.memory_space<hbm>> -> memref<80x128xi32, #tpu.memory_space<hbm>>
        tpu.wait_dma2 semaphore(%arg32 : memref<!tpu.dma_semaphore, #tpu.memory_space<semaphore_mem>>) src(%dma_wait3A_311 : memref<80x128xi32, #tpu.memory_space<hbm>>) dst(%arg12 : memref<80x128xi32, #tpu.memory_space<vmem>>)
        %dma_wait3A_312 = arith.constant 0 : i32
        %dma_wait3A_313 = arith.constant 0 : i32
        %dma_wait3A_314 = tpu.memref_slice %arg7[%dma_wait3A_312, %dma_wait3A_313] : memref<320000x128xi32, #tpu.memory_space<hbm>> -> memref<80x128xi32, #tpu.memory_space<hbm>>
        %dma_wait3A_315 = arith.constant 0 : i32
        %dma_wait3A_316 = arith.constant 0 : i32
        %dma_wait3A_317 = tpu.memref_slice %arg7[%dma_wait3A_315, %dma_wait3A_316] : memref<320000x128xi32, #tpu.memory_space<hbm>> -> memref<80x128xi32, #tpu.memory_space<hbm>>
        tpu.wait_dma2 semaphore(%arg37 : memref<!tpu.dma_semaphore, #tpu.memory_space<semaphore_mem>>) src(%dma_wait3A_317 : memref<80x128xi32, #tpu.memory_space<hbm>>) dst(%arg17 : memref<80x128xi32, #tpu.memory_space<vmem>>)
        %mul3A_318 = arith.constant 80 : i32
        %mul3A_319 = arith.muli %add3A_226, %mul3A_318 : i32
        %dma_start3A_320 = tpu.memref_slice %arg8[%mul3A_319] : memref<10000xi32, #tpu.memory_space<vmem>> -> memref<80xi32, #tpu.memory_space<vmem>>
        %dma_start3A_321 = arith.constant 0 : i32
        %dma_start3A_322 = arith.constant 0 : i32
        %dma_start3A_323 = tpu.memref_slice %arg2[%dma_start3A_321, %dma_start3A_322] : memref<10000x128xi32, #tpu.memory_space<hbm>> -> memref<10000x128xi32, #tpu.memory_space<hbm>>
        tpu.enqueue_indirect_dma source(%dma_start3A_323 : memref<10000x128xi32, #tpu.memory_space<hbm>>) target(%arg12 : memref<80x128xi32, #tpu.memory_space<vmem>>) offsets(%dma_start3A_320 : memref<80xi32, #tpu.memory_space<vmem>>) semaphore(%arg22 : memref<!tpu.dma_semaphore, #tpu.memory_space<semaphore_mem>>)
        %dma_start3A_324 = tpu.memref_slice %arg9[%mul3A_319] : memref<10000xi32, #tpu.memory_space<vmem>> -> memref<80xi32, #tpu.memory_space<vmem>>
        %dma_start3A_325 = arith.constant 0 : i32
        %dma_start3A_326 = arith.constant 0 : i32
        %dma_start3A_327 = tpu.memref_slice %arg3[%dma_start3A_325, %dma_start3A_326] : memref<10000x128xi32, #tpu.memory_space<hbm>> -> memref<10000x128xi32, #tpu.memory_space<hbm>>
        tpu.enqueue_indirect_dma source(%dma_start3A_327 : memref<10000x128xi32, #tpu.memory_space<hbm>>) target(%arg17 : memref<80x128xi32, #tpu.memory_space<vmem>>) offsets(%dma_start3A_324 : memref<80xi32, #tpu.memory_space<vmem>>) semaphore(%arg27 : memref<!tpu.dma_semaphore, #tpu.memory_space<semaphore_mem>>)
      } else {
      }
      %add3A_230 = arith.constant 3 : i32
      %add3A_231 = arith.addi %mul3A_118, %add3A_230 : i32
      %dma_wait3A_232 = arith.constant 0 : i32
      %dma_wait3A_233 = arith.constant 0 : i32
      %dma_wait3A_234 = tpu.memref_slice %arg2[%dma_wait3A_232, %dma_wait3A_233] : memref<10000x128xi32, #tpu.memory_space<hbm>> -> memref<80x128xi32, #tpu.memory_space<hbm>>
      %dma_wait3A_235 = arith.constant 0 : i32
      %dma_wait3A_236 = arith.constant 0 : i32
      %dma_wait3A_237 = tpu.memref_slice %arg2[%dma_wait3A_235, %dma_wait3A_236] : memref<10000x128xi32, #tpu.memory_space<hbm>> -> memref<80x128xi32, #tpu.memory_space<hbm>>
      tpu.wait_dma2 semaphore(%arg23 : memref<!tpu.dma_semaphore, #tpu.memory_space<semaphore_mem>>) src(%dma_wait3A_237 : memref<80x128xi32, #tpu.memory_space<hbm>>) dst(%arg13 : memref<80x128xi32, #tpu.memory_space<vmem>>)
      %dma_wait3A_238 = arith.constant 0 : i32
      %dma_wait3A_239 = arith.constant 0 : i32
      %dma_wait3A_240 = tpu.memref_slice %arg3[%dma_wait3A_238, %dma_wait3A_239] : memref<10000x128xi32, #tpu.memory_space<hbm>> -> memref<80x128xi32, #tpu.memory_space<hbm>>
      %dma_wait3A_241 = arith.constant 0 : i32
      %dma_wait3A_242 = arith.constant 0 : i32
      %dma_wait3A_243 = tpu.memref_slice %arg3[%dma_wait3A_241, %dma_wait3A_242] : memref<10000x128xi32, #tpu.memory_space<hbm>> -> memref<80x128xi32, #tpu.memory_space<hbm>>
      tpu.wait_dma2 semaphore(%arg28 : memref<!tpu.dma_semaphore, #tpu.memory_space<semaphore_mem>>) src(%dma_wait3A_243 : memref<80x128xi32, #tpu.memory_space<hbm>>) dst(%arg18 : memref<80x128xi32, #tpu.memory_space<vmem>>)
      %mul3A_244 = arith.constant 80 : i32
      %mul3A_245 = arith.muli %add3A_231, %mul3A_244 : i32
      %add3A_246 = arith.addi %mul3A_2, %mul3A_245 : i32
      %dma_start3A_247 = arith.constant 0 : i32
      %dma_start3A_248 = tpu.memref_slice %arg6[%add3A_246, %dma_start3A_247] : memref<320000x128xi32, #tpu.memory_space<hbm>> -> memref<80x128xi32, #tpu.memory_space<hbm>>
      %dma_start3A_249 = arith.constant 0 : i32
      %dma_start3A_250 = tpu.memref_slice %arg6[%add3A_246, %dma_start3A_249] : memref<320000x128xi32, #tpu.memory_space<hbm>> -> memref<80x128xi32, #tpu.memory_space<hbm>>
      tpu.enqueue_dma source(%arg13 : memref<80x128xi32, #tpu.memory_space<vmem>>) target(%dma_start3A_250 : memref<80x128xi32, #tpu.memory_space<hbm>>) target_semaphore(%arg33 : memref<!tpu.dma_semaphore, #tpu.memory_space<semaphore_mem>>)
      %dma_start3A_251 = arith.constant 0 : i32
      %dma_start3A_252 = tpu.memref_slice %arg7[%add3A_246, %dma_start3A_251] : memref<320000x128xi32, #tpu.memory_space<hbm>> -> memref<80x128xi32, #tpu.memory_space<hbm>>
      %dma_start3A_253 = arith.constant 0 : i32
      %dma_start3A_254 = tpu.memref_slice %arg7[%add3A_246, %dma_start3A_253] : memref<320000x128xi32, #tpu.memory_space<hbm>> -> memref<80x128xi32, #tpu.memory_space<hbm>>
      tpu.enqueue_dma source(%arg18 : memref<80x128xi32, #tpu.memory_space<vmem>>) target(%dma_start3A_254 : memref<80x128xi32, #tpu.memory_space<hbm>>) target_semaphore(%arg38 : memref<!tpu.dma_semaphore, #tpu.memory_space<semaphore_mem>>)
      %add3A_255 = arith.constant 3 : i32
      %add3A_256 = arith.addi %mul3A_118, %add3A_255 : i32
      %add3A_257 = arith.constant 5 : i32
      %add3A_258 = arith.addi %add3A_256, %add3A_257 : i32
      %lt3A_259 = arith.constant 125 : i32
      %lt3A_260 = arith.cmpi slt, %add3A_258, %lt3A_259 : i32
      %add3A_261 = arith.constant 3 : i32
      %add3A_262 = arith.addi %mul3A_118, %add3A_261 : i32
      %add3A_263 = arith.constant 5 : i32
      %add3A_264 = arith.addi %add3A_262, %add3A_263 : i32
      %convert_element_type3A_265 = arith.extui %lt3A_260 : i1 to i32
      %cond3A_266 = arith.constant 0 : i32
      %cond3A_267 = arith.cmpi ne, %convert_element_type3A_265, %cond3A_266 : i32
      scf.if %cond3A_267 {
        %dma_wait3A_306 = arith.constant 0 : i32
        %dma_wait3A_307 = arith.constant 0 : i32
        %dma_wait3A_308 = tpu.memref_slice %arg6[%dma_wait3A_306, %dma_wait3A_307] : memref<320000x128xi32, #tpu.memory_space<hbm>> -> memref<80x128xi32, #tpu.memory_space<hbm>>
        %dma_wait3A_309 = arith.constant 0 : i32
        %dma_wait3A_310 = arith.constant 0 : i32
        %dma_wait3A_311 = tpu.memref_slice %arg6[%dma_wait3A_309, %dma_wait3A_310] : memref<320000x128xi32, #tpu.memory_space<hbm>> -> memref<80x128xi32, #tpu.memory_space<hbm>>
        tpu.wait_dma2 semaphore(%arg33 : memref<!tpu.dma_semaphore, #tpu.memory_space<semaphore_mem>>) src(%dma_wait3A_311 : memref<80x128xi32, #tpu.memory_space<hbm>>) dst(%arg13 : memref<80x128xi32, #tpu.memory_space<vmem>>)
        %dma_wait3A_312 = arith.constant 0 : i32
        %dma_wait3A_313 = arith.constant 0 : i32
        %dma_wait3A_314 = tpu.memref_slice %arg7[%dma_wait3A_312, %dma_wait3A_313] : memref<320000x128xi32, #tpu.memory_space<hbm>> -> memref<80x128xi32, #tpu.memory_space<hbm>>
        %dma_wait3A_315 = arith.constant 0 : i32
        %dma_wait3A_316 = arith.constant 0 : i32
        %dma_wait3A_317 = tpu.memref_slice %arg7[%dma_wait3A_315, %dma_wait3A_316] : memref<320000x128xi32, #tpu.memory_space<hbm>> -> memref<80x128xi32, #tpu.memory_space<hbm>>
        tpu.wait_dma2 semaphore(%arg38 : memref<!tpu.dma_semaphore, #tpu.memory_space<semaphore_mem>>) src(%dma_wait3A_317 : memref<80x128xi32, #tpu.memory_space<hbm>>) dst(%arg18 : memref<80x128xi32, #tpu.memory_space<vmem>>)
        %mul3A_318 = arith.constant 80 : i32
        %mul3A_319 = arith.muli %add3A_264, %mul3A_318 : i32
        %dma_start3A_320 = tpu.memref_slice %arg8[%mul3A_319] : memref<10000xi32, #tpu.memory_space<vmem>> -> memref<80xi32, #tpu.memory_space<vmem>>
        %dma_start3A_321 = arith.constant 0 : i32
        %dma_start3A_322 = arith.constant 0 : i32
        %dma_start3A_323 = tpu.memref_slice %arg2[%dma_start3A_321, %dma_start3A_322] : memref<10000x128xi32, #tpu.memory_space<hbm>> -> memref<10000x128xi32, #tpu.memory_space<hbm>>
        tpu.enqueue_indirect_dma source(%dma_start3A_323 : memref<10000x128xi32, #tpu.memory_space<hbm>>) target(%arg13 : memref<80x128xi32, #tpu.memory_space<vmem>>) offsets(%dma_start3A_320 : memref<80xi32, #tpu.memory_space<vmem>>) semaphore(%arg23 : memref<!tpu.dma_semaphore, #tpu.memory_space<semaphore_mem>>)
        %dma_start3A_324 = tpu.memref_slice %arg9[%mul3A_319] : memref<10000xi32, #tpu.memory_space<vmem>> -> memref<80xi32, #tpu.memory_space<vmem>>
        %dma_start3A_325 = arith.constant 0 : i32
        %dma_start3A_326 = arith.constant 0 : i32
        %dma_start3A_327 = tpu.memref_slice %arg3[%dma_start3A_325, %dma_start3A_326] : memref<10000x128xi32, #tpu.memory_space<hbm>> -> memref<10000x128xi32, #tpu.memory_space<hbm>>
        tpu.enqueue_indirect_dma source(%dma_start3A_327 : memref<10000x128xi32, #tpu.memory_space<hbm>>) target(%arg18 : memref<80x128xi32, #tpu.memory_space<vmem>>) offsets(%dma_start3A_324 : memref<80xi32, #tpu.memory_space<vmem>>) semaphore(%arg28 : memref<!tpu.dma_semaphore, #tpu.memory_space<semaphore_mem>>)
      } else {
      }
      %add3A_268 = arith.constant 4 : i32
      %add3A_269 = arith.addi %mul3A_118, %add3A_268 : i32
      %dma_wait3A_270 = arith.constant 0 : i32
      %dma_wait3A_271 = arith.constant 0 : i32
      %dma_wait3A_272 = tpu.memref_slice %arg2[%dma_wait3A_270, %dma_wait3A_271] : memref<10000x128xi32, #tpu.memory_space<hbm>> -> memref<80x128xi32, #tpu.memory_space<hbm>>
      %dma_wait3A_273 = arith.constant 0 : i32
      %dma_wait3A_274 = arith.constant 0 : i32
      %dma_wait3A_275 = tpu.memref_slice %arg2[%dma_wait3A_273, %dma_wait3A_274] : memref<10000x128xi32, #tpu.memory_space<hbm>> -> memref<80x128xi32, #tpu.memory_space<hbm>>
      tpu.wait_dma2 semaphore(%arg24 : memref<!tpu.dma_semaphore, #tpu.memory_space<semaphore_mem>>) src(%dma_wait3A_275 : memref<80x128xi32, #tpu.memory_space<hbm>>) dst(%arg14 : memref<80x128xi32, #tpu.memory_space<vmem>>)
      %dma_wait3A_276 = arith.constant 0 : i32
      %dma_wait3A_277 = arith.constant 0 : i32
      %dma_wait3A_278 = tpu.memref_slice %arg3[%dma_wait3A_276, %dma_wait3A_277] : memref<10000x128xi32, #tpu.memory_space<hbm>> -> memref<80x128xi32, #tpu.memory_space<hbm>>
      %dma_wait3A_279 = arith.constant 0 : i32
      %dma_wait3A_280 = arith.constant 0 : i32
      %dma_wait3A_281 = tpu.memref_slice %arg3[%dma_wait3A_279, %dma_wait3A_280] : memref<10000x128xi32, #tpu.memory_space<hbm>> -> memref<80x128xi32, #tpu.memory_space<hbm>>
      tpu.wait_dma2 semaphore(%arg29 : memref<!tpu.dma_semaphore, #tpu.memory_space<semaphore_mem>>) src(%dma_wait3A_281 : memref<80x128xi32, #tpu.memory_space<hbm>>) dst(%arg19 : memref<80x128xi32, #tpu.memory_space<vmem>>)
      %mul3A_282 = arith.constant 80 : i32
      %mul3A_283 = arith.muli %add3A_269, %mul3A_282 : i32
      %add3A_284 = arith.addi %mul3A_2, %mul3A_283 : i32
      %dma_start3A_285 = arith.constant 0 : i32
      %dma_start3A_286 = tpu.memref_slice %arg6[%add3A_284, %dma_start3A_285] : memref<320000x128xi32, #tpu.memory_space<hbm>> -> memref<80x128xi32, #tpu.memory_space<hbm>>
      %dma_start3A_287 = arith.constant 0 : i32
      %dma_start3A_288 = tpu.memref_slice %arg6[%add3A_284, %dma_start3A_287] : memref<320000x128xi32, #tpu.memory_space<hbm>> -> memref<80x128xi32, #tpu.memory_space<hbm>>
      tpu.enqueue_dma source(%arg14 : memref<80x128xi32, #tpu.memory_space<vmem>>) target(%dma_start3A_288 : memref<80x128xi32, #tpu.memory_space<hbm>>) target_semaphore(%arg34 : memref<!tpu.dma_semaphore, #tpu.memory_space<semaphore_mem>>)
      %dma_start3A_289 = arith.constant 0 : i32
      %dma_start3A_290 = tpu.memref_slice %arg7[%add3A_284, %dma_start3A_289] : memref<320000x128xi32, #tpu.memory_space<hbm>> -> memref<80x128xi32, #tpu.memory_space<hbm>>
      %dma_start3A_291 = arith.constant 0 : i32
      %dma_start3A_292 = tpu.memref_slice %arg7[%add3A_284, %dma_start3A_291] : memref<320000x128xi32, #tpu.memory_space<hbm>> -> memref<80x128xi32, #tpu.memory_space<hbm>>
      tpu.enqueue_dma source(%arg19 : memref<80x128xi32, #tpu.memory_space<vmem>>) target(%dma_start3A_292 : memref<80x128xi32, #tpu.memory_space<hbm>>) target_semaphore(%arg39 : memref<!tpu.dma_semaphore, #tpu.memory_space<semaphore_mem>>)
      %add3A_293 = arith.constant 4 : i32
      %add3A_294 = arith.addi %mul3A_118, %add3A_293 : i32
      %add3A_295 = arith.constant 5 : i32
      %add3A_296 = arith.addi %add3A_294, %add3A_295 : i32
      %lt3A_297 = arith.constant 125 : i32
      %lt3A_298 = arith.cmpi slt, %add3A_296, %lt3A_297 : i32
      %add3A_299 = arith.constant 4 : i32
      %add3A_300 = arith.addi %mul3A_118, %add3A_299 : i32
      %add3A_301 = arith.constant 5 : i32
      %add3A_302 = arith.addi %add3A_300, %add3A_301 : i32
      %convert_element_type3A_303 = arith.extui %lt3A_298 : i1 to i32
      %cond3A_304 = arith.constant 0 : i32
      %cond3A_305 = arith.cmpi ne, %convert_element_type3A_303, %cond3A_304 : i32
      scf.if %cond3A_305 {
        %dma_wait3A_306 = arith.constant 0 : i32
        %dma_wait3A_307 = arith.constant 0 : i32
        %dma_wait3A_308 = tpu.memref_slice %arg6[%dma_wait3A_306, %dma_wait3A_307] : memref<320000x128xi32, #tpu.memory_space<hbm>> -> memref<80x128xi32, #tpu.memory_space<hbm>>
        %dma_wait3A_309 = arith.constant 0 : i32
        %dma_wait3A_310 = arith.constant 0 : i32
        %dma_wait3A_311 = tpu.memref_slice %arg6[%dma_wait3A_309, %dma_wait3A_310] : memref<320000x128xi32, #tpu.memory_space<hbm>> -> memref<80x128xi32, #tpu.memory_space<hbm>>
        tpu.wait_dma2 semaphore(%arg34 : memref<!tpu.dma_semaphore, #tpu.memory_space<semaphore_mem>>) src(%dma_wait3A_311 : memref<80x128xi32, #tpu.memory_space<hbm>>) dst(%arg14 : memref<80x128xi32, #tpu.memory_space<vmem>>)
        %dma_wait3A_312 = arith.constant 0 : i32
        %dma_wait3A_313 = arith.constant 0 : i32
        %dma_wait3A_314 = tpu.memref_slice %arg7[%dma_wait3A_312, %dma_wait3A_313] : memref<320000x128xi32, #tpu.memory_space<hbm>> -> memref<80x128xi32, #tpu.memory_space<hbm>>
        %dma_wait3A_315 = arith.constant 0 : i32
        %dma_wait3A_316 = arith.constant 0 : i32
        %dma_wait3A_317 = tpu.memref_slice %arg7[%dma_wait3A_315, %dma_wait3A_316] : memref<320000x128xi32, #tpu.memory_space<hbm>> -> memref<80x128xi32, #tpu.memory_space<hbm>>
        tpu.wait_dma2 semaphore(%arg39 : memref<!tpu.dma_semaphore, #tpu.memory_space<semaphore_mem>>) src(%dma_wait3A_317 : memref<80x128xi32, #tpu.memory_space<hbm>>) dst(%arg19 : memref<80x128xi32, #tpu.memory_space<vmem>>)
        %mul3A_318 = arith.constant 80 : i32
        %mul3A_319 = arith.muli %add3A_302, %mul3A_318 : i32
        %dma_start3A_320 = tpu.memref_slice %arg8[%mul3A_319] : memref<10000xi32, #tpu.memory_space<vmem>> -> memref<80xi32, #tpu.memory_space<vmem>>
        %dma_start3A_321 = arith.constant 0 : i32
        %dma_start3A_322 = arith.constant 0 : i32
        %dma_start3A_323 = tpu.memref_slice %arg2[%dma_start3A_321, %dma_start3A_322] : memref<10000x128xi32, #tpu.memory_space<hbm>> -> memref<10000x128xi32, #tpu.memory_space<hbm>>
        tpu.enqueue_indirect_dma source(%dma_start3A_323 : memref<10000x128xi32, #tpu.memory_space<hbm>>) target(%arg14 : memref<80x128xi32, #tpu.memory_space<vmem>>) offsets(%dma_start3A_320 : memref<80xi32, #tpu.memory_space<vmem>>) semaphore(%arg24 : memref<!tpu.dma_semaphore, #tpu.memory_space<semaphore_mem>>)
        %dma_start3A_324 = tpu.memref_slice %arg9[%mul3A_319] : memref<10000xi32, #tpu.memory_space<vmem>> -> memref<80xi32, #tpu.memory_space<vmem>>
        %dma_start3A_325 = arith.constant 0 : i32
        %dma_start3A_326 = arith.constant 0 : i32
        %dma_start3A_327 = tpu.memref_slice %arg3[%dma_start3A_325, %dma_start3A_326] : memref<10000x128xi32, #tpu.memory_space<hbm>> -> memref<10000x128xi32, #tpu.memory_space<hbm>>
        tpu.enqueue_indirect_dma source(%dma_start3A_327 : memref<10000x128xi32, #tpu.memory_space<hbm>>) target(%arg19 : memref<80x128xi32, #tpu.memory_space<vmem>>) offsets(%dma_start3A_324 : memref<80xi32, #tpu.memory_space<vmem>>) semaphore(%arg29 : memref<!tpu.dma_semaphore, #tpu.memory_space<semaphore_mem>>)
      } else {
      }
    }
    %scan3A_56 = arith.constant 25 : i32
    %dma_wait3A = arith.constant 0 : i32
    %dma_wait3A_57 = arith.constant 0 : i32
    %dma_wait3A_58 = tpu.memref_slice %arg6[%dma_wait3A, %dma_wait3A_57] : memref<320000x128xi32, #tpu.memory_space<hbm>> -> memref<80x128xi32, #tpu.memory_space<hbm>>
    %dma_wait3A_59 = arith.constant 0 : i32
    %dma_wait3A_60 = arith.constant 0 : i32
    %dma_wait3A_61 = tpu.memref_slice %arg6[%dma_wait3A_59, %dma_wait3A_60] : memref<320000x128xi32, #tpu.memory_space<hbm>> -> memref<80x128xi32, #tpu.memory_space<hbm>>
    tpu.wait_dma2 semaphore(%arg30 : memref<!tpu.dma_semaphore, #tpu.memory_space<semaphore_mem>>) src(%dma_wait3A_61 : memref<80x128xi32, #tpu.memory_space<hbm>>) dst(%arg10 : memref<80x128xi32, #tpu.memory_space<vmem>>)
    %dma_wait3A_62 = arith.constant 0 : i32
    %dma_wait3A_63 = arith.constant 0 : i32
    %dma_wait3A_64 = tpu.memref_slice %arg7[%dma_wait3A_62, %dma_wait3A_63] : memref<320000x128xi32, #tpu.memory_space<hbm>> -> memref<80x128xi32, #tpu.memory_space<hbm>>
    %dma_wait3A_65 = arith.constant 0 : i32
    %dma_wait3A_66 = arith.constant 0 : i32
    %dma_wait3A_67 = tpu.memref_slice %arg7[%dma_wait3A_65, %dma_wait3A_66] : memref<320000x128xi32, #tpu.memory_space<hbm>> -> memref<80x128xi32, #tpu.memory_space<hbm>>
    tpu.wait_dma2 semaphore(%arg35 : memref<!tpu.dma_semaphore, #tpu.memory_space<semaphore_mem>>) src(%dma_wait3A_67 : memref<80x128xi32, #tpu.memory_space<hbm>>) dst(%arg15 : memref<80x128xi32, #tpu.memory_space<vmem>>)
    %dma_wait3A_68 = arith.constant 0 : i32
    %dma_wait3A_69 = arith.constant 0 : i32
    %dma_wait3A_70 = tpu.memref_slice %arg6[%dma_wait3A_68, %dma_wait3A_69] : memref<320000x128xi32, #tpu.memory_space<hbm>> -> memref<80x128xi32, #tpu.memory_space<hbm>>
    %dma_wait3A_71 = arith.constant 0 : i32
    %dma_wait3A_72 = arith.constant 0 : i32
    %dma_wait3A_73 = tpu.memref_slice %arg6[%dma_wait3A_71, %dma_wait3A_72] : memref<320000x128xi32, #tpu.memory_space<hbm>> -> memref<80x128xi32, #tpu.memory_space<hbm>>
    tpu.wait_dma2 semaphore(%arg31 : memref<!tpu.dma_semaphore, #tpu.memory_space<semaphore_mem>>) src(%dma_wait3A_73 : memref<80x128xi32, #tpu.memory_space<hbm>>) dst(%arg11 : memref<80x128xi32, #tpu.memory_space<vmem>>)
    %dma_wait3A_74 = arith.constant 0 : i32
    %dma_wait3A_75 = arith.constant 0 : i32
    %dma_wait3A_76 = tpu.memref_slice %arg7[%dma_wait3A_74, %dma_wait3A_75] : memref<320000x128xi32, #tpu.memory_space<hbm>> -> memref<80x128xi32, #tpu.memory_space<hbm>>
    %dma_wait3A_77 = arith.constant 0 : i32
    %dma_wait3A_78 = arith.constant 0 : i32
    %dma_wait3A_79 = tpu.memref_slice %arg7[%dma_wait3A_77, %dma_wait3A_78] : memref<320000x128xi32, #tpu.memory_space<hbm>> -> memref<80x128xi32, #tpu.memory_space<hbm>>
    tpu.wait_dma2 semaphore(%arg36 : memref<!tpu.dma_semaphore, #tpu.memory_space<semaphore_mem>>) src(%dma_wait3A_79 : memref<80x128xi32, #tpu.memory_space<hbm>>) dst(%arg16 : memref<80x128xi32, #tpu.memory_space<vmem>>)
    %dma_wait3A_80 = arith.constant 0 : i32
    %dma_wait3A_81 = arith.constant 0 : i32
    %dma_wait3A_82 = tpu.memref_slice %arg6[%dma_wait3A_80, %dma_wait3A_81] : memref<320000x128xi32, #tpu.memory_space<hbm>> -> memref<80x128xi32, #tpu.memory_space<hbm>>
    %dma_wait3A_83 = arith.constant 0 : i32
    %dma_wait3A_84 = arith.constant 0 : i32
    %dma_wait3A_85 = tpu.memref_slice %arg6[%dma_wait3A_83, %dma_wait3A_84] : memref<320000x128xi32, #tpu.memory_space<hbm>> -> memref<80x128xi32, #tpu.memory_space<hbm>>
    tpu.wait_dma2 semaphore(%arg32 : memref<!tpu.dma_semaphore, #tpu.memory_space<semaphore_mem>>) src(%dma_wait3A_85 : memref<80x128xi32, #tpu.memory_space<hbm>>) dst(%arg12 : memref<80x128xi32, #tpu.memory_space<vmem>>)
    %dma_wait3A_86 = arith.constant 0 : i32
    %dma_wait3A_87 = arith.constant 0 : i32
    %dma_wait3A_88 = tpu.memref_slice %arg7[%dma_wait3A_86, %dma_wait3A_87] : memref<320000x128xi32, #tpu.memory_space<hbm>> -> memref<80x128xi32, #tpu.memory_space<hbm>>
    %dma_wait3A_89 = arith.constant 0 : i32
    %dma_wait3A_90 = arith.constant 0 : i32
    %dma_wait3A_91 = tpu.memref_slice %arg7[%dma_wait3A_89, %dma_wait3A_90] : memref<320000x128xi32, #tpu.memory_space<hbm>> -> memref<80x128xi32, #tpu.memory_space<hbm>>
    tpu.wait_dma2 semaphore(%arg37 : memref<!tpu.dma_semaphore, #tpu.memory_space<semaphore_mem>>) src(%dma_wait3A_91 : memref<80x128xi32, #tpu.memory_space<hbm>>) dst(%arg17 : memref<80x128xi32, #tpu.memory_space<vmem>>)
    %dma_wait3A_92 = arith.constant 0 : i32
    %dma_wait3A_93 = arith.constant 0 : i32
    %dma_wait3A_94 = tpu.memref_slice %arg6[%dma_wait3A_92, %dma_wait3A_93] : memref<320000x128xi32, #tpu.memory_space<hbm>> -> memref<80x128xi32, #tpu.memory_space<hbm>>
    %dma_wait3A_95 = arith.constant 0 : i32
    %dma_wait3A_96 = arith.constant 0 : i32
    %dma_wait3A_97 = tpu.memref_slice %arg6[%dma_wait3A_95, %dma_wait3A_96] : memref<320000x128xi32, #tpu.memory_space<hbm>> -> memref<80x128xi32, #tpu.memory_space<hbm>>
    tpu.wait_dma2 semaphore(%arg33 : memref<!tpu.dma_semaphore, #tpu.memory_space<semaphore_mem>>) src(%dma_wait3A_97 : memref<80x128xi32, #tpu.memory_space<hbm>>) dst(%arg13 : memref<80x128xi32, #tpu.memory_space<vmem>>)
    %dma_wait3A_98 = arith.constant 0 : i32
    %dma_wait3A_99 = arith.constant 0 : i32
    %dma_wait3A_100 = tpu.memref_slice %arg7[%dma_wait3A_98, %dma_wait3A_99] : memref<320000x128xi32, #tpu.memory_space<hbm>> -> memref<80x128xi32, #tpu.memory_space<hbm>>
    %dma_wait3A_101 = arith.constant 0 : i32
    %dma_wait3A_102 = arith.constant 0 : i32
    %dma_wait3A_103 = tpu.memref_slice %arg7[%dma_wait3A_101, %dma_wait3A_102] : memref<320000x128xi32, #tpu.memory_space<hbm>> -> memref<80x128xi32, #tpu.memory_space<hbm>>
    tpu.wait_dma2 semaphore(%arg38 : memref<!tpu.dma_semaphore, #tpu.memory_space<semaphore_mem>>) src(%dma_wait3A_103 : memref<80x128xi32, #tpu.memory_space<hbm>>) dst(%arg18 : memref<80x128xi32, #tpu.memory_space<vmem>>)
    %dma_wait3A_104 = arith.constant 0 : i32
    %dma_wait3A_105 = arith.constant 0 : i32
    %dma_wait3A_106 = tpu.memref_slice %arg6[%dma_wait3A_104, %dma_wait3A_105] : memref<320000x128xi32, #tpu.memory_space<hbm>> -> memref<80x128xi32, #tpu.memory_space<hbm>>
    %dma_wait3A_107 = arith.constant 0 : i32
    %dma_wait3A_108 = arith.constant 0 : i32
    %dma_wait3A_109 = tpu.memref_slice %arg6[%dma_wait3A_107, %dma_wait3A_108] : memref<320000x128xi32, #tpu.memory_space<hbm>> -> memref<80x128xi32, #tpu.memory_space<hbm>>
    tpu.wait_dma2 semaphore(%arg34 : memref<!tpu.dma_semaphore, #tpu.memory_space<semaphore_mem>>) src(%dma_wait3A_109 : memref<80x128xi32, #tpu.memory_space<hbm>>) dst(%arg14 : memref<80x128xi32, #tpu.memory_space<vmem>>)
    %dma_wait3A_110 = arith.constant 0 : i32
    %dma_wait3A_111 = arith.constant 0 : i32
    %dma_wait3A_112 = tpu.memref_slice %arg7[%dma_wait3A_110, %dma_wait3A_111] : memref<320000x128xi32, #tpu.memory_space<hbm>> -> memref<80x128xi32, #tpu.memory_space<hbm>>
    %dma_wait3A_113 = arith.constant 0 : i32
    %dma_wait3A_114 = arith.constant 0 : i32
    %dma_wait3A_115 = tpu.memref_slice %arg7[%dma_wait3A_113, %dma_wait3A_114] : memref<320000x128xi32, #tpu.memory_space<hbm>> -> memref<80x128xi32, #tpu.memory_space<hbm>>
    tpu.wait_dma2 semaphore(%arg39 : memref<!tpu.dma_semaphore, #tpu.memory_space<semaphore_mem>>) src(%dma_wait3A_115 : memref<80x128xi32, #tpu.memory_space<hbm>>) dst(%arg19 : memref<80x128xi32, #tpu.memory_space<vmem>>)
    return
  }
}

#map = affine_map<(d0, d1) -> (0, 0)>
#map1 = affine_map<(d0, d1) -> (0, 0, 0, 0)>
#map2 = affine_map<(d0, d1) -> (0, 0, 0)>
module attributes {stable_mosaic.version = 14 : i64} {
  func.func @body(%arg0: i32, %arg1: i32, %arg2: memref<320000x128xf32, #tpu.memory_space<hbm>>, %arg3: memref<32x5x50x40xi32, #tpu.memory_space<hbm>>, %arg4: memref<2x10000x128xf32, #tpu.memory_space<hbm>>, %arg5: memref<50x40xi32, #tpu.memory_space<vmem>>, %arg6: memref<40x128xf32, #tpu.memory_space<vmem>>, %arg7: memref<40x128xf32, #tpu.memory_space<vmem>>, %arg8: memref<40x128xf32, #tpu.memory_space<vmem>>, %arg9: memref<40x128xf32, #tpu.memory_space<vmem>>, %arg10: memref<40x128xf32, #tpu.memory_space<vmem>>, %arg11: memref<40x128xf32, #tpu.memory_space<vmem>>, %arg12: memref<10000x128xf32, #tpu.memory_space<vmem_shared>>, %arg13: memref<!tpu.dma_semaphore, #tpu.memory_space<semaphore_mem>>, %arg14: memref<!tpu.dma_semaphore, #tpu.memory_space<semaphore_mem>>, %arg15: memref<!tpu.dma_semaphore, #tpu.memory_space<semaphore_mem>>, %arg16: memref<!tpu.dma_semaphore, #tpu.memory_space<semaphore_mem>>, %arg17: memref<!tpu.dma_semaphore, #tpu.memory_space<semaphore_mem>>, %arg18: memref<!tpu.dma_semaphore, #tpu.memory_space<semaphore_mem>>, %arg19: memref<!tpu.dma_semaphore, #tpu.memory_space<semaphore_mem>>, %arg20: memref<!tpu.dma_semaphore, #tpu.memory_space<semaphore_mem>>, %arg21: memref<!tpu.dma_semaphore, #tpu.memory_space<semaphore_mem>>, %arg22: memref<!tpu.dma_semaphore, #tpu.memory_space<semaphore_mem>>) attributes {dimension_semantics = [#tpu.dimension_semantics<core_parallel>, #tpu.dimension_semantics<subcore_parallel>], iteration_bounds = array<i64: 2, 16>, scalar_prefetch = 0 : i64, scratch_operands = 18 : i64, tpu.core_type = #tpu.core_type<sc_vector_subcore>, window_params = [{transform_indices = #map}, {transform_indices = #map1}, {transform_indices = #map2}]} {
    %mul3A = arith.constant 16 : i32
    %mul3A_0 = arith.muli %arg0, %mul3A : i32
    %add3A = arith.addi %mul3A_0, %arg1 : i32
    %scan3A = arith.constant 0 : i32
    %scan3A_1 = arith.constant 0 : i32
    %scan3A_2 = arith.constant 40 : i32
    %scan3A_3 = arith.addi %scan3A_1, %scan3A_2 : i32
    %scan3A_4 = arith.constant 1 : i32
    scf.for %scan3A_22 = %scan3A_1 to %scan3A_3 step %scan3A_4  : i32 {
      %broadcast_in_dim3A = arith.constant 0.000000e+00 : f32
      %broadcast_in_dim3A_23 = vector.broadcast %broadcast_in_dim3A : f32 to vector<16xf32>
      %swap3A = arith.index_cast %scan3A_22 : i32 to index
      %swap3A_24 = arith.constant 0 : index
      %swap3A_25 = tpu.vector_load %arg11[%swap3A, %swap3A_24] {strides = array<i32>} : memref<40x128xf32, #tpu.memory_space<vmem>>, vector<1x16xf32>,
      %swap3A_26 = vector.shape_cast %swap3A_25 : vector<1x16xf32> to vector<16xf32>
      %swap3A_27 = vector.shape_cast %broadcast_in_dim3A_23 : vector<16xf32> to vector<1x16xf32>
      tpu.vector_store %arg11[%swap3A, %swap3A_24], %swap3A_27 {strides = array<i32>} : memref<40x128xf32, #tpu.memory_space<vmem>>, vector<1x16xf32>,
      %broadcast_in_dim3A_28 = arith.constant 0.000000e+00 : f32
      %broadcast_in_dim3A_29 = vector.broadcast %broadcast_in_dim3A_28 : f32 to vector<16xf32>
      %swap3A_30 = arith.index_cast %scan3A_22 : i32 to index
      %swap3A_31 = arith.constant 16 : index
      %swap3A_32 = tpu.vector_load %arg11[%swap3A_30, %swap3A_31] {strides = array<i32>} : memref<40x128xf32, #tpu.memory_space<vmem>>, vector<1x16xf32>,
      %swap3A_33 = vector.shape_cast %swap3A_32 : vector<1x16xf32> to vector<16xf32>
      %swap3A_34 = vector.shape_cast %broadcast_in_dim3A_29 : vector<16xf32> to vector<1x16xf32>
      tpu.vector_store %arg11[%swap3A_30, %swap3A_31], %swap3A_34 {strides = array<i32>} : memref<40x128xf32, #tpu.memory_space<vmem>>, vector<1x16xf32>,
      %broadcast_in_dim3A_35 = arith.constant 0.000000e+00 : f32
      %broadcast_in_dim3A_36 = vector.broadcast %broadcast_in_dim3A_35 : f32 to vector<16xf32>
      %swap3A_37 = arith.index_cast %scan3A_22 : i32 to index
      %swap3A_38 = arith.constant 32 : index
      %swap3A_39 = tpu.vector_load %arg11[%swap3A_37, %swap3A_38] {strides = array<i32>} : memref<40x128xf32, #tpu.memory_space<vmem>>, vector<1x16xf32>,
      %swap3A_40 = vector.shape_cast %swap3A_39 : vector<1x16xf32> to vector<16xf32>
      %swap3A_41 = vector.shape_cast %broadcast_in_dim3A_36 : vector<16xf32> to vector<1x16xf32>
      tpu.vector_store %arg11[%swap3A_37, %swap3A_38], %swap3A_41 {strides = array<i32>} : memref<40x128xf32, #tpu.memory_space<vmem>>, vector<1x16xf32>,
      %broadcast_in_dim3A_42 = arith.constant 0.000000e+00 : f32
      %broadcast_in_dim3A_43 = vector.broadcast %broadcast_in_dim3A_42 : f32 to vector<16xf32>
      %swap3A_44 = arith.index_cast %scan3A_22 : i32 to index
      %swap3A_45 = arith.constant 48 : index
      %swap3A_46 = tpu.vector_load %arg11[%swap3A_44, %swap3A_45] {strides = array<i32>} : memref<40x128xf32, #tpu.memory_space<vmem>>, vector<1x16xf32>,
      %swap3A_47 = vector.shape_cast %swap3A_46 : vector<1x16xf32> to vector<16xf32>
      %swap3A_48 = vector.shape_cast %broadcast_in_dim3A_43 : vector<16xf32> to vector<1x16xf32>
      tpu.vector_store %arg11[%swap3A_44, %swap3A_45], %swap3A_48 {strides = array<i32>} : memref<40x128xf32, #tpu.memory_space<vmem>>, vector<1x16xf32>,
      %broadcast_in_dim3A_49 = arith.constant 0.000000e+00 : f32
      %broadcast_in_dim3A_50 = vector.broadcast %broadcast_in_dim3A_49 : f32 to vector<16xf32>
      %swap3A_51 = arith.index_cast %scan3A_22 : i32 to index
      %swap3A_52 = arith.constant 64 : index
      %swap3A_53 = tpu.vector_load %arg11[%swap3A_51, %swap3A_52] {strides = array<i32>} : memref<40x128xf32, #tpu.memory_space<vmem>>, vector<1x16xf32>,
      %swap3A_54 = vector.shape_cast %swap3A_53 : vector<1x16xf32> to vector<16xf32>
      %swap3A_55 = vector.shape_cast %broadcast_in_dim3A_50 : vector<16xf32> to vector<1x16xf32>
      tpu.vector_store %arg11[%swap3A_51, %swap3A_52], %swap3A_55 {strides = array<i32>} : memref<40x128xf32, #tpu.memory_space<vmem>>, vector<1x16xf32>,
      %broadcast_in_dim3A_56 = arith.constant 0.000000e+00 : f32
      %broadcast_in_dim3A_57 = vector.broadcast %broadcast_in_dim3A_56 : f32 to vector<16xf32>
      %swap3A_58 = arith.index_cast %scan3A_22 : i32 to index
      %swap3A_59 = arith.constant 80 : index
      %swap3A_60 = tpu.vector_load %arg11[%swap3A_58, %swap3A_59] {strides = array<i32>} : memref<40x128xf32, #tpu.memory_space<vmem>>, vector<1x16xf32>,
      %swap3A_61 = vector.shape_cast %swap3A_60 : vector<1x16xf32> to vector<16xf32>
      %swap3A_62 = vector.shape_cast %broadcast_in_dim3A_57 : vector<16xf32> to vector<1x16xf32>
      tpu.vector_store %arg11[%swap3A_58, %swap3A_59], %swap3A_62 {strides = array<i32>} : memref<40x128xf32, #tpu.memory_space<vmem>>, vector<1x16xf32>,
      %broadcast_in_dim3A_63 = arith.constant 0.000000e+00 : f32
      %broadcast_in_dim3A_64 = vector.broadcast %broadcast_in_dim3A_63 : f32 to vector<16xf32>
      %swap3A_65 = arith.index_cast %scan3A_22 : i32 to index
      %swap3A_66 = arith.constant 96 : index
      %swap3A_67 = tpu.vector_load %arg11[%swap3A_65, %swap3A_66] {strides = array<i32>} : memref<40x128xf32, #tpu.memory_space<vmem>>, vector<1x16xf32>,
      %swap3A_68 = vector.shape_cast %swap3A_67 : vector<1x16xf32> to vector<16xf32>
      %swap3A_69 = vector.shape_cast %broadcast_in_dim3A_64 : vector<16xf32> to vector<1x16xf32>
      tpu.vector_store %arg11[%swap3A_65, %swap3A_66], %swap3A_69 {strides = array<i32>} : memref<40x128xf32, #tpu.memory_space<vmem>>, vector<1x16xf32>,
      %broadcast_in_dim3A_70 = arith.constant 0.000000e+00 : f32
      %broadcast_in_dim3A_71 = vector.broadcast %broadcast_in_dim3A_70 : f32 to vector<16xf32>
      %swap3A_72 = arith.index_cast %scan3A_22 : i32 to index
      %swap3A_73 = arith.constant 112 : index
      %swap3A_74 = tpu.vector_load %arg11[%swap3A_72, %swap3A_73] {strides = array<i32>} : memref<40x128xf32, #tpu.memory_space<vmem>>, vector<1x16xf32>,
      %swap3A_75 = vector.shape_cast %swap3A_74 : vector<1x16xf32> to vector<16xf32>
      %swap3A_76 = vector.shape_cast %broadcast_in_dim3A_71 : vector<16xf32> to vector<1x16xf32>
      tpu.vector_store %arg11[%swap3A_72, %swap3A_73], %swap3A_76 {strides = array<i32>} : memref<40x128xf32, #tpu.memory_space<vmem>>, vector<1x16xf32>,
    }
    %scan3A_5 = arith.constant 40 : i32
    %lt3A = arith.constant 10 : i32
    %lt3A_6 = arith.cmpi slt, %arg1, %lt3A : i32
    %convert_element_type3A = arith.extui %lt3A_6 : i1 to i32
    %cond3A = arith.constant 0 : i32
    %cond3A_7 = arith.cmpi ne, %convert_element_type3A, %cond3A : i32
    scf.if %cond3A_7 {
      %scan3A_22 = arith.constant 0 : i32
      %scan3A_23 = arith.constant 0 : i32
      %scan3A_24 = arith.constant 25 : i32
      %scan3A_25 = arith.addi %scan3A_23, %scan3A_24 : i32
      %scan3A_26 = arith.constant 1 : i32
      scf.for %scan3A_28 = %scan3A_23 to %scan3A_25 step %scan3A_26  : i32 {
        %mul3A_29 = arith.constant 1000 : i32
        %mul3A_30 = arith.muli %arg1, %mul3A_29 : i32
        %mul3A_31 = arith.constant 40 : i32
        %mul3A_32 = arith.muli %scan3A_28, %mul3A_31 : i32
        %add3A_33 = arith.addi %mul3A_30, %mul3A_32 : i32
        "tpu.region"() ({
          %run_scoped3A = tpu.sem_alloc : memref<!tpu.dma_semaphore, #tpu.memory_space<semaphore_mem>>
          %dma_start3A = arith.constant 0 : i32
          %dma_start3A_34 = tpu.memref_slice %arg12[%add3A_33, %dma_start3A] : memref<10000x128xf32, #tpu.memory_space<vmem_shared>> -> memref<40x128xf32, #tpu.memory_space<vmem_shared>>
          %dma_start3A_35 = arith.constant 0 : i32
          %dma_start3A_36 = tpu.memref_slice %arg12[%add3A_33, %dma_start3A_35] : memref<10000x128xf32, #tpu.memory_space<vmem_shared>> -> memref<40x128xf32, #tpu.memory_space<vmem_shared>>
          tpu.enqueue_dma source(%arg11 : memref<40x128xf32, #tpu.memory_space<vmem>>) target(%dma_start3A_36 : memref<40x128xf32, #tpu.memory_space<vmem_shared>>) target_semaphore(%run_scoped3A : memref<!tpu.dma_semaphore, #tpu.memory_space<semaphore_mem>>)
          %dma_wait3A = arith.constant 0 : i32
          %dma_wait3A_37 = tpu.memref_slice %arg12[%add3A_33, %dma_wait3A] : memref<10000x128xf32, #tpu.memory_space<vmem_shared>> -> memref<40x128xf32, #tpu.memory_space<vmem_shared>>
          %dma_wait3A_38 = arith.constant 0 : i32
          %dma_wait3A_39 = tpu.memref_slice %arg12[%add3A_33, %dma_wait3A_38] : memref<10000x128xf32, #tpu.memory_space<vmem_shared>> -> memref<40x128xf32, #tpu.memory_space<vmem_shared>>
          tpu.wait_dma2 semaphore(%run_scoped3A : memref<!tpu.dma_semaphore, #tpu.memory_space<semaphore_mem>>) src(%arg11 : memref<40x128xf32, #tpu.memory_space<vmem>>) dst(%dma_wait3A_39 : memref<40x128xf32, #tpu.memory_space<vmem_shared>>)
          tpu.yield
        }) : () -> ()
      }
      %scan3A_27 = arith.constant 25 : i32
    } else {
    }
    %barrier3A = arith.constant 0 : index
    tpu.barrier barrier_id(%barrier3A)
    %mul3A_8 = arith.constant 10000 : i32
    %mul3A_9 = arith.muli %add3A, %mul3A_8 : i32
    %scan3A_10 = arith.constant 0 : i32
    %scan3A_11 = arith.constant 0 : i32
    %scan3A_12 = arith.constant 5 : i32
    %scan3A_13 = arith.addi %scan3A_11, %scan3A_12 : i32
    %scan3A_14 = arith.constant 1 : i32
    scf.for %scan3A_22 = %scan3A_11 to %scan3A_13 step %scan3A_14  : i32 {
      "tpu.region"() ({
        %run_scoped3A = tpu.sem_alloc : memref<!tpu.dma_semaphore, #tpu.memory_space<semaphore_mem>>
        %dma_start3A_92 = arith.constant 0 : i32
        %dma_start3A_93 = arith.constant 0 : i32
        %dma_start3A_94 = tpu.memref_slice %arg3[%add3A, %scan3A_22, %dma_start3A_92, %dma_start3A_93] : memref<32x5x50x40xi32, #tpu.memory_space<hbm>> -> memref<1x1x50x40xi32, #tpu.memory_space<hbm>>
        %dma_start3A_95 = tpu.memref_squeeze %dma_start3A_94 : memref<1x1x50x40xi32, #tpu.memory_space<hbm>> -> memref<50x40xi32, #tpu.memory_space<hbm>>
        %dma_start3A_96 = arith.constant 0 : i32
        %dma_start3A_97 = arith.constant 0 : i32
        %dma_start3A_98 = tpu.memref_slice %arg3[%add3A, %scan3A_22, %dma_start3A_96, %dma_start3A_97] : memref<32x5x50x40xi32, #tpu.memory_space<hbm>> -> memref<1x1x50x40xi32, #tpu.memory_space<hbm>>
        %dma_start3A_99 = tpu.memref_squeeze %dma_start3A_98 : memref<1x1x50x40xi32, #tpu.memory_space<hbm>> -> memref<50x40xi32, #tpu.memory_space<hbm>>
        tpu.enqueue_dma source(%dma_start3A_99 : memref<50x40xi32, #tpu.memory_space<hbm>>) target(%arg5 : memref<50x40xi32, #tpu.memory_space<vmem>>) target_semaphore(%run_scoped3A : memref<!tpu.dma_semaphore, #tpu.memory_space<semaphore_mem>>)
        %dma_wait3A_100 = arith.constant 0 : i32
        %dma_wait3A_101 = arith.constant 0 : i32
        %dma_wait3A_102 = tpu.memref_slice %arg3[%add3A, %scan3A_22, %dma_wait3A_100, %dma_wait3A_101] : memref<32x5x50x40xi32, #tpu.memory_space<hbm>> -> memref<1x1x50x40xi32, #tpu.memory_space<hbm>>
        %dma_wait3A_103 = tpu.memref_squeeze %dma_wait3A_102 : memref<1x1x50x40xi32, #tpu.memory_space<hbm>> -> memref<50x40xi32, #tpu.memory_space<hbm>>
        %dma_wait3A_104 = arith.constant 0 : i32
        %dma_wait3A_105 = arith.constant 0 : i32
        %dma_wait3A_106 = tpu.memref_slice %arg3[%add3A, %scan3A_22, %dma_wait3A_104, %dma_wait3A_105] : memref<32x5x50x40xi32, #tpu.memory_space<hbm>> -> memref<1x1x50x40xi32, #tpu.memory_space<hbm>>
        %dma_wait3A_107 = tpu.memref_squeeze %dma_wait3A_106 : memref<1x1x50x40xi32, #tpu.memory_space<hbm>> -> memref<50x40xi32, #tpu.memory_space<hbm>>
        tpu.wait_dma2 semaphore(%run_scoped3A : memref<!tpu.dma_semaphore, #tpu.memory_space<semaphore_mem>>) src(%dma_wait3A_107 : memref<50x40xi32, #tpu.memory_space<hbm>>) dst(%arg5 : memref<50x40xi32, #tpu.memory_space<vmem>>)
        tpu.yield
      }) : () -> ()
      %mul3A_23 = arith.constant 50 : i32
      %mul3A_24 = arith.muli %scan3A_22, %mul3A_23 : i32
      %mul3A_25 = arith.constant 40 : i32
      %mul3A_26 = arith.muli %mul3A_24, %mul3A_25 : i32
      %add3A_27 = arith.addi %mul3A_9, %mul3A_26 : i32
      %add3A_28 = arith.constant 0 : i32
      %add3A_29 = arith.addi %add3A_27, %add3A_28 : i32
      %dma_start3A = arith.constant 0 : i32
      %dma_start3A_30 = tpu.memref_slice %arg2[%add3A_29, %dma_start3A] : memref<320000x128xf32, #tpu.memory_space<hbm>> -> memref<40x128xf32, #tpu.memory_space<hbm>>
      %dma_start3A_31 = arith.constant 0 : i32
      %dma_start3A_32 = tpu.memref_slice %arg2[%add3A_29, %dma_start3A_31] : memref<320000x128xf32, #tpu.memory_space<hbm>> -> memref<40x128xf32, #tpu.memory_space<hbm>>
      tpu.enqueue_dma source(%dma_start3A_32 : memref<40x128xf32, #tpu.memory_space<hbm>>) target(%arg6 : memref<40x128xf32, #tpu.memory_space<vmem>>) target_semaphore(%arg13 : memref<!tpu.dma_semaphore, #tpu.memory_space<semaphore_mem>>)
      %add3A_33 = arith.constant 40 : i32
      %add3A_34 = arith.addi %add3A_27, %add3A_33 : i32
      %dma_start3A_35 = arith.constant 0 : i32
      %dma_start3A_36 = tpu.memref_slice %arg2[%add3A_34, %dma_start3A_35] : memref<320000x128xf32, #tpu.memory_space<hbm>> -> memref<40x128xf32, #tpu.memory_space<hbm>>
      %dma_start3A_37 = arith.constant 0 : i32
      %dma_start3A_38 = tpu.memref_slice %arg2[%add3A_34, %dma_start3A_37] : memref<320000x128xf32, #tpu.memory_space<hbm>> -> memref<40x128xf32, #tpu.memory_space<hbm>>
      tpu.enqueue_dma source(%dma_start3A_38 : memref<40x128xf32, #tpu.memory_space<hbm>>) target(%arg7 : memref<40x128xf32, #tpu.memory_space<vmem>>) target_semaphore(%arg14 : memref<!tpu.dma_semaphore, #tpu.memory_space<semaphore_mem>>)
      %add3A_39 = arith.constant 80 : i32
      %add3A_40 = arith.addi %add3A_27, %add3A_39 : i32
      %dma_start3A_41 = arith.constant 0 : i32
      %dma_start3A_42 = tpu.memref_slice %arg2[%add3A_40, %dma_start3A_41] : memref<320000x128xf32, #tpu.memory_space<hbm>> -> memref<40x128xf32, #tpu.memory_space<hbm>>
      %dma_start3A_43 = arith.constant 0 : i32
      %dma_start3A_44 = tpu.memref_slice %arg2[%add3A_40, %dma_start3A_43] : memref<320000x128xf32, #tpu.memory_space<hbm>> -> memref<40x128xf32, #tpu.memory_space<hbm>>
      tpu.enqueue_dma source(%dma_start3A_44 : memref<40x128xf32, #tpu.memory_space<hbm>>) target(%arg8 : memref<40x128xf32, #tpu.memory_space<vmem>>) target_semaphore(%arg15 : memref<!tpu.dma_semaphore, #tpu.memory_space<semaphore_mem>>)
      %add3A_45 = arith.constant 120 : i32
      %add3A_46 = arith.addi %add3A_27, %add3A_45 : i32
      %dma_start3A_47 = arith.constant 0 : i32
      %dma_start3A_48 = tpu.memref_slice %arg2[%add3A_46, %dma_start3A_47] : memref<320000x128xf32, #tpu.memory_space<hbm>> -> memref<40x128xf32, #tpu.memory_space<hbm>>
      %dma_start3A_49 = arith.constant 0 : i32
      %dma_start3A_50 = tpu.memref_slice %arg2[%add3A_46, %dma_start3A_49] : memref<320000x128xf32, #tpu.memory_space<hbm>> -> memref<40x128xf32, #tpu.memory_space<hbm>>
      tpu.enqueue_dma source(%dma_start3A_50 : memref<40x128xf32, #tpu.memory_space<hbm>>) target(%arg9 : memref<40x128xf32, #tpu.memory_space<vmem>>) target_semaphore(%arg16 : memref<!tpu.dma_semaphore, #tpu.memory_space<semaphore_mem>>)
      %add3A_51 = arith.constant 160 : i32
      %add3A_52 = arith.addi %add3A_27, %add3A_51 : i32
      %dma_start3A_53 = arith.constant 0 : i32
      %dma_start3A_54 = tpu.memref_slice %arg2[%add3A_52, %dma_start3A_53] : memref<320000x128xf32, #tpu.memory_space<hbm>> -> memref<40x128xf32, #tpu.memory_space<hbm>>
      %dma_start3A_55 = arith.constant 0 : i32
      %dma_start3A_56 = tpu.memref_slice %arg2[%add3A_52, %dma_start3A_55] : memref<320000x128xf32, #tpu.memory_space<hbm>> -> memref<40x128xf32, #tpu.memory_space<hbm>>
      tpu.enqueue_dma source(%dma_start3A_56 : memref<40x128xf32, #tpu.memory_space<hbm>>) target(%arg10 : memref<40x128xf32, #tpu.memory_space<vmem>>) target_semaphore(%arg17 : memref<!tpu.dma_semaphore, #tpu.memory_space<semaphore_mem>>)
      %scan3A_57 = arith.constant 0 : i32
      %scan3A_58 = arith.constant 0 : i32
      %scan3A_59 = arith.constant 10 : i32
      %scan3A_60 = arith.addi %scan3A_58, %scan3A_59 : i32
      %scan3A_61 = arith.constant 1 : i32
      scf.for %scan3A_92 = %scan3A_58 to %scan3A_60 step %scan3A_61  : i32 {
        %mul3A_93 = arith.constant 5 : i32
        %mul3A_94 = arith.muli %mul3A_93, %scan3A_92 : i32
        %add3A_95 = arith.constant 0 : i32
        %add3A_96 = arith.addi %mul3A_94, %add3A_95 : i32
        %dma_wait3A_97 = arith.constant 0 : i32
        %dma_wait3A_98 = arith.constant 0 : i32
        %dma_wait3A_99 = tpu.memref_slice %arg2[%dma_wait3A_97, %dma_wait3A_98] : memref<320000x128xf32, #tpu.memory_space<hbm>> -> memref<40x128xf32, #tpu.memory_space<hbm>>
        %dma_wait3A_100 = arith.constant 0 : i32
        %dma_wait3A_101 = arith.constant 0 : i32
        %dma_wait3A_102 = tpu.memref_slice %arg2[%dma_wait3A_100, %dma_wait3A_101] : memref<320000x128xf32, #tpu.memory_space<hbm>> -> memref<40x128xf32, #tpu.memory_space<hbm>>
        tpu.wait_dma2 semaphore(%arg13 : memref<!tpu.dma_semaphore, #tpu.memory_space<semaphore_mem>>) src(%dma_wait3A_102 : memref<40x128xf32, #tpu.memory_space<hbm>>) dst(%arg6 : memref<40x128xf32, #tpu.memory_space<vmem>>)
        %dma_start3A_103 = arith.constant 0 : i32
        %dma_start3A_104 = tpu.memref_slice %arg5[%add3A_96, %dma_start3A_103] : memref<50x40xi32, #tpu.memory_space<vmem>> -> memref<1x40xi32, #tpu.memory_space<vmem>>
        %dma_start3A_105 = tpu.memref_squeeze %dma_start3A_104 : memref<1x40xi32, #tpu.memory_space<vmem>> -> memref<40xi32, #tpu.memory_space<vmem>>
        %dma_start3A_106 = arith.constant 0 : i32
        %dma_start3A_107 = arith.constant 0 : i32
        %dma_start3A_108 = tpu.memref_slice %arg12[%dma_start3A_106, %dma_start3A_107] : memref<10000x128xf32, #tpu.memory_space<vmem_shared>> -> memref<10000x128xf32, #tpu.memory_space<vmem_shared>>
        tpu.enqueue_indirect_dma source(%arg6 : memref<40x128xf32, #tpu.memory_space<vmem>>) target(%dma_start3A_108 : memref<10000x128xf32, #tpu.memory_space<vmem_shared>>) offsets(%dma_start3A_105 : memref<40xi32, #tpu.memory_space<vmem>>) semaphore(%arg18 : memref<!tpu.dma_semaphore, #tpu.memory_space<semaphore_mem>>) {add = true}
        %add3A_109 = arith.constant 0 : i32
        %add3A_110 = arith.addi %mul3A_94, %add3A_109 : i32
        %add3A_111 = arith.constant 5 : i32
        %add3A_112 = arith.addi %add3A_110, %add3A_111 : i32
        %lt3A_113 = arith.constant 50 : i32
        %lt3A_114 = arith.cmpi slt, %add3A_112, %lt3A_113 : i32
        %add3A_115 = arith.constant 0 : i32
        %add3A_116 = arith.addi %mul3A_94, %add3A_115 : i32
        %add3A_117 = arith.constant 5 : i32
        %add3A_118 = arith.addi %add3A_116, %add3A_117 : i32
        %convert_element_type3A_119 = arith.extui %lt3A_114 : i1 to i32
        %cond3A_120 = arith.constant 0 : i32
        %cond3A_121 = arith.cmpi ne, %convert_element_type3A_119, %cond3A_120 : i32
        scf.if %cond3A_121 {
          %dma_wait3A_230 = arith.constant 0 : i32
          %dma_wait3A_231 = arith.constant 0 : i32
          %dma_wait3A_232 = tpu.memref_slice %arg12[%dma_wait3A_230, %dma_wait3A_231] : memref<10000x128xf32, #tpu.memory_space<vmem_shared>> -> memref<40x128xf32, #tpu.memory_space<vmem_shared>>
          %dma_wait3A_233 = arith.constant 0 : i32
          %dma_wait3A_234 = arith.constant 0 : i32
          %dma_wait3A_235 = tpu.memref_slice %arg12[%dma_wait3A_233, %dma_wait3A_234] : memref<10000x128xf32, #tpu.memory_space<vmem_shared>> -> memref<40x128xf32, #tpu.memory_space<vmem_shared>>
          tpu.wait_dma2 semaphore(%arg18 : memref<!tpu.dma_semaphore, #tpu.memory_space<semaphore_mem>>) src(%arg6 : memref<40x128xf32, #tpu.memory_space<vmem>>) dst(%dma_wait3A_235 : memref<40x128xf32, #tpu.memory_space<vmem_shared>>)
          %mul3A_236 = arith.constant 40 : i32
          %mul3A_237 = arith.muli %add3A_118, %mul3A_236 : i32
          %add3A_238 = arith.addi %add3A_27, %mul3A_237 : i32
          %dma_start3A_239 = arith.constant 0 : i32
          %dma_start3A_240 = tpu.memref_slice %arg2[%add3A_238, %dma_start3A_239] : memref<320000x128xf32, #tpu.memory_space<hbm>> -> memref<40x128xf32, #tpu.memory_space<hbm>>
          %dma_start3A_241 = arith.constant 0 : i32
          %dma_start3A_242 = tpu.memref_slice %arg2[%add3A_238, %dma_start3A_241] : memref<320000x128xf32, #tpu.memory_space<hbm>> -> memref<40x128xf32, #tpu.memory_space<hbm>>
          tpu.enqueue_dma source(%dma_start3A_242 : memref<40x128xf32, #tpu.memory_space<hbm>>) target(%arg6 : memref<40x128xf32, #tpu.memory_space<vmem>>) target_semaphore(%arg13 : memref<!tpu.dma_semaphore, #tpu.memory_space<semaphore_mem>>)
        } else {
        }
        %add3A_122 = arith.constant 1 : i32
        %add3A_123 = arith.addi %mul3A_94, %add3A_122 : i32
        %dma_wait3A_124 = arith.constant 0 : i32
        %dma_wait3A_125 = arith.constant 0 : i32
        %dma_wait3A_126 = tpu.memref_slice %arg2[%dma_wait3A_124, %dma_wait3A_125] : memref<320000x128xf32, #tpu.memory_space<hbm>> -> memref<40x128xf32, #tpu.memory_space<hbm>>
        %dma_wait3A_127 = arith.constant 0 : i32
        %dma_wait3A_128 = arith.constant 0 : i32
        %dma_wait3A_129 = tpu.memref_slice %arg2[%dma_wait3A_127, %dma_wait3A_128] : memref<320000x128xf32, #tpu.memory_space<hbm>> -> memref<40x128xf32, #tpu.memory_space<hbm>>
        tpu.wait_dma2 semaphore(%arg14 : memref<!tpu.dma_semaphore, #tpu.memory_space<semaphore_mem>>) src(%dma_wait3A_129 : memref<40x128xf32, #tpu.memory_space<hbm>>) dst(%arg7 : memref<40x128xf32, #tpu.memory_space<vmem>>)
        %dma_start3A_130 = arith.constant 0 : i32
        %dma_start3A_131 = tpu.memref_slice %arg5[%add3A_123, %dma_start3A_130] : memref<50x40xi32, #tpu.memory_space<vmem>> -> memref<1x40xi32, #tpu.memory_space<vmem>>
        %dma_start3A_132 = tpu.memref_squeeze %dma_start3A_131 : memref<1x40xi32, #tpu.memory_space<vmem>> -> memref<40xi32, #tpu.memory_space<vmem>>
        %dma_start3A_133 = arith.constant 0 : i32
        %dma_start3A_134 = arith.constant 0 : i32
        %dma_start3A_135 = tpu.memref_slice %arg12[%dma_start3A_133, %dma_start3A_134] : memref<10000x128xf32, #tpu.memory_space<vmem_shared>> -> memref<10000x128xf32, #tpu.memory_space<vmem_shared>>
        tpu.enqueue_indirect_dma source(%arg7 : memref<40x128xf32, #tpu.memory_space<vmem>>) target(%dma_start3A_135 : memref<10000x128xf32, #tpu.memory_space<vmem_shared>>) offsets(%dma_start3A_132 : memref<40xi32, #tpu.memory_space<vmem>>) semaphore(%arg19 : memref<!tpu.dma_semaphore, #tpu.memory_space<semaphore_mem>>) {add = true}
        %add3A_136 = arith.constant 1 : i32
        %add3A_137 = arith.addi %mul3A_94, %add3A_136 : i32
        %add3A_138 = arith.constant 5 : i32
        %add3A_139 = arith.addi %add3A_137, %add3A_138 : i32
        %lt3A_140 = arith.constant 50 : i32
        %lt3A_141 = arith.cmpi slt, %add3A_139, %lt3A_140 : i32
        %add3A_142 = arith.constant 1 : i32
        %add3A_143 = arith.addi %mul3A_94, %add3A_142 : i32
        %add3A_144 = arith.constant 5 : i32
        %add3A_145 = arith.addi %add3A_143, %add3A_144 : i32
        %convert_element_type3A_146 = arith.extui %lt3A_141 : i1 to i32
        %cond3A_147 = arith.constant 0 : i32
        %cond3A_148 = arith.cmpi ne, %convert_element_type3A_146, %cond3A_147 : i32
        scf.if %cond3A_148 {
          %dma_wait3A_230 = arith.constant 0 : i32
          %dma_wait3A_231 = arith.constant 0 : i32
          %dma_wait3A_232 = tpu.memref_slice %arg12[%dma_wait3A_230, %dma_wait3A_231] : memref<10000x128xf32, #tpu.memory_space<vmem_shared>> -> memref<40x128xf32, #tpu.memory_space<vmem_shared>>
          %dma_wait3A_233 = arith.constant 0 : i32
          %dma_wait3A_234 = arith.constant 0 : i32
          %dma_wait3A_235 = tpu.memref_slice %arg12[%dma_wait3A_233, %dma_wait3A_234] : memref<10000x128xf32, #tpu.memory_space<vmem_shared>> -> memref<40x128xf32, #tpu.memory_space<vmem_shared>>
          tpu.wait_dma2 semaphore(%arg19 : memref<!tpu.dma_semaphore, #tpu.memory_space<semaphore_mem>>) src(%arg7 : memref<40x128xf32, #tpu.memory_space<vmem>>) dst(%dma_wait3A_235 : memref<40x128xf32, #tpu.memory_space<vmem_shared>>)
          %mul3A_236 = arith.constant 40 : i32
          %mul3A_237 = arith.muli %add3A_145, %mul3A_236 : i32
          %add3A_238 = arith.addi %add3A_27, %mul3A_237 : i32
          %dma_start3A_239 = arith.constant 0 : i32
          %dma_start3A_240 = tpu.memref_slice %arg2[%add3A_238, %dma_start3A_239] : memref<320000x128xf32, #tpu.memory_space<hbm>> -> memref<40x128xf32, #tpu.memory_space<hbm>>
          %dma_start3A_241 = arith.constant 0 : i32
          %dma_start3A_242 = tpu.memref_slice %arg2[%add3A_238, %dma_start3A_241] : memref<320000x128xf32, #tpu.memory_space<hbm>> -> memref<40x128xf32, #tpu.memory_space<hbm>>
          tpu.enqueue_dma source(%dma_start3A_242 : memref<40x128xf32, #tpu.memory_space<hbm>>) target(%arg7 : memref<40x128xf32, #tpu.memory_space<vmem>>) target_semaphore(%arg14 : memref<!tpu.dma_semaphore, #tpu.memory_space<semaphore_mem>>)
        } else {
        }
        %add3A_149 = arith.constant 2 : i32
        %add3A_150 = arith.addi %mul3A_94, %add3A_149 : i32
        %dma_wait3A_151 = arith.constant 0 : i32
        %dma_wait3A_152 = arith.constant 0 : i32
        %dma_wait3A_153 = tpu.memref_slice %arg2[%dma_wait3A_151, %dma_wait3A_152] : memref<320000x128xf32, #tpu.memory_space<hbm>> -> memref<40x128xf32, #tpu.memory_space<hbm>>
        %dma_wait3A_154 = arith.constant 0 : i32
        %dma_wait3A_155 = arith.constant 0 : i32
        %dma_wait3A_156 = tpu.memref_slice %arg2[%dma_wait3A_154, %dma_wait3A_155] : memref<320000x128xf32, #tpu.memory_space<hbm>> -> memref<40x128xf32, #tpu.memory_space<hbm>>
        tpu.wait_dma2 semaphore(%arg15 : memref<!tpu.dma_semaphore, #tpu.memory_space<semaphore_mem>>) src(%dma_wait3A_156 : memref<40x128xf32, #tpu.memory_space<hbm>>) dst(%arg8 : memref<40x128xf32, #tpu.memory_space<vmem>>)
        %dma_start3A_157 = arith.constant 0 : i32
        %dma_start3A_158 = tpu.memref_slice %arg5[%add3A_150, %dma_start3A_157] : memref<50x40xi32, #tpu.memory_space<vmem>> -> memref<1x40xi32, #tpu.memory_space<vmem>>
        %dma_start3A_159 = tpu.memref_squeeze %dma_start3A_158 : memref<1x40xi32, #tpu.memory_space<vmem>> -> memref<40xi32, #tpu.memory_space<vmem>>
        %dma_start3A_160 = arith.constant 0 : i32
        %dma_start3A_161 = arith.constant 0 : i32
        %dma_start3A_162 = tpu.memref_slice %arg12[%dma_start3A_160, %dma_start3A_161] : memref<10000x128xf32, #tpu.memory_space<vmem_shared>> -> memref<10000x128xf32, #tpu.memory_space<vmem_shared>>
        tpu.enqueue_indirect_dma source(%arg8 : memref<40x128xf32, #tpu.memory_space<vmem>>) target(%dma_start3A_162 : memref<10000x128xf32, #tpu.memory_space<vmem_shared>>) offsets(%dma_start3A_159 : memref<40xi32, #tpu.memory_space<vmem>>) semaphore(%arg20 : memref<!tpu.dma_semaphore, #tpu.memory_space<semaphore_mem>>) {add = true}
        %add3A_163 = arith.constant 2 : i32
        %add3A_164 = arith.addi %mul3A_94, %add3A_163 : i32
        %add3A_165 = arith.constant 5 : i32
        %add3A_166 = arith.addi %add3A_164, %add3A_165 : i32
        %lt3A_167 = arith.constant 50 : i32
        %lt3A_168 = arith.cmpi slt, %add3A_166, %lt3A_167 : i32
        %add3A_169 = arith.constant 2 : i32
        %add3A_170 = arith.addi %mul3A_94, %add3A_169 : i32
        %add3A_171 = arith.constant 5 : i32
        %add3A_172 = arith.addi %add3A_170, %add3A_171 : i32
        %convert_element_type3A_173 = arith.extui %lt3A_168 : i1 to i32
        %cond3A_174 = arith.constant 0 : i32
        %cond3A_175 = arith.cmpi ne, %convert_element_type3A_173, %cond3A_174 : i32
        scf.if %cond3A_175 {
          %dma_wait3A_230 = arith.constant 0 : i32
          %dma_wait3A_231 = arith.constant 0 : i32
          %dma_wait3A_232 = tpu.memref_slice %arg12[%dma_wait3A_230, %dma_wait3A_231] : memref<10000x128xf32, #tpu.memory_space<vmem_shared>> -> memref<40x128xf32, #tpu.memory_space<vmem_shared>>
          %dma_wait3A_233 = arith.constant 0 : i32
          %dma_wait3A_234 = arith.constant 0 : i32
          %dma_wait3A_235 = tpu.memref_slice %arg12[%dma_wait3A_233, %dma_wait3A_234] : memref<10000x128xf32, #tpu.memory_space<vmem_shared>> -> memref<40x128xf32, #tpu.memory_space<vmem_shared>>
          tpu.wait_dma2 semaphore(%arg20 : memref<!tpu.dma_semaphore, #tpu.memory_space<semaphore_mem>>) src(%arg8 : memref<40x128xf32, #tpu.memory_space<vmem>>) dst(%dma_wait3A_235 : memref<40x128xf32, #tpu.memory_space<vmem_shared>>)
          %mul3A_236 = arith.constant 40 : i32
          %mul3A_237 = arith.muli %add3A_172, %mul3A_236 : i32
          %add3A_238 = arith.addi %add3A_27, %mul3A_237 : i32
          %dma_start3A_239 = arith.constant 0 : i32
          %dma_start3A_240 = tpu.memref_slice %arg2[%add3A_238, %dma_start3A_239] : memref<320000x128xf32, #tpu.memory_space<hbm>> -> memref<40x128xf32, #tpu.memory_space<hbm>>
          %dma_start3A_241 = arith.constant 0 : i32
          %dma_start3A_242 = tpu.memref_slice %arg2[%add3A_238, %dma_start3A_241] : memref<320000x128xf32, #tpu.memory_space<hbm>> -> memref<40x128xf32, #tpu.memory_space<hbm>>
          tpu.enqueue_dma source(%dma_start3A_242 : memref<40x128xf32, #tpu.memory_space<hbm>>) target(%arg8 : memref<40x128xf32, #tpu.memory_space<vmem>>) target_semaphore(%arg15 : memref<!tpu.dma_semaphore, #tpu.memory_space<semaphore_mem>>)
        } else {
        }
        %add3A_176 = arith.constant 3 : i32
        %add3A_177 = arith.addi %mul3A_94, %add3A_176 : i32
        %dma_wait3A_178 = arith.constant 0 : i32
        %dma_wait3A_179 = arith.constant 0 : i32
        %dma_wait3A_180 = tpu.memref_slice %arg2[%dma_wait3A_178, %dma_wait3A_179] : memref<320000x128xf32, #tpu.memory_space<hbm>> -> memref<40x128xf32, #tpu.memory_space<hbm>>
        %dma_wait3A_181 = arith.constant 0 : i32
        %dma_wait3A_182 = arith.constant 0 : i32
        %dma_wait3A_183 = tpu.memref_slice %arg2[%dma_wait3A_181, %dma_wait3A_182] : memref<320000x128xf32, #tpu.memory_space<hbm>> -> memref<40x128xf32, #tpu.memory_space<hbm>>
        tpu.wait_dma2 semaphore(%arg16 : memref<!tpu.dma_semaphore, #tpu.memory_space<semaphore_mem>>) src(%dma_wait3A_183 : memref<40x128xf32, #tpu.memory_space<hbm>>) dst(%arg9 : memref<40x128xf32, #tpu.memory_space<vmem>>)
        %dma_start3A_184 = arith.constant 0 : i32
        %dma_start3A_185 = tpu.memref_slice %arg5[%add3A_177, %dma_start3A_184] : memref<50x40xi32, #tpu.memory_space<vmem>> -> memref<1x40xi32, #tpu.memory_space<vmem>>
        %dma_start3A_186 = tpu.memref_squeeze %dma_start3A_185 : memref<1x40xi32, #tpu.memory_space<vmem>> -> memref<40xi32, #tpu.memory_space<vmem>>
        %dma_start3A_187 = arith.constant 0 : i32
        %dma_start3A_188 = arith.constant 0 : i32
        %dma_start3A_189 = tpu.memref_slice %arg12[%dma_start3A_187, %dma_start3A_188] : memref<10000x128xf32, #tpu.memory_space<vmem_shared>> -> memref<10000x128xf32, #tpu.memory_space<vmem_shared>>
        tpu.enqueue_indirect_dma source(%arg9 : memref<40x128xf32, #tpu.memory_space<vmem>>) target(%dma_start3A_189 : memref<10000x128xf32, #tpu.memory_space<vmem_shared>>) offsets(%dma_start3A_186 : memref<40xi32, #tpu.memory_space<vmem>>) semaphore(%arg21 : memref<!tpu.dma_semaphore, #tpu.memory_space<semaphore_mem>>) {add = true}
        %add3A_190 = arith.constant 3 : i32
        %add3A_191 = arith.addi %mul3A_94, %add3A_190 : i32
        %add3A_192 = arith.constant 5 : i32
        %add3A_193 = arith.addi %add3A_191, %add3A_192 : i32
        %lt3A_194 = arith.constant 50 : i32
        %lt3A_195 = arith.cmpi slt, %add3A_193, %lt3A_194 : i32
        %add3A_196 = arith.constant 3 : i32
        %add3A_197 = arith.addi %mul3A_94, %add3A_196 : i32
        %add3A_198 = arith.constant 5 : i32
        %add3A_199 = arith.addi %add3A_197, %add3A_198 : i32
        %convert_element_type3A_200 = arith.extui %lt3A_195 : i1 to i32
        %cond3A_201 = arith.constant 0 : i32
        %cond3A_202 = arith.cmpi ne, %convert_element_type3A_200, %cond3A_201 : i32
        scf.if %cond3A_202 {
          %dma_wait3A_230 = arith.constant 0 : i32
          %dma_wait3A_231 = arith.constant 0 : i32
          %dma_wait3A_232 = tpu.memref_slice %arg12[%dma_wait3A_230, %dma_wait3A_231] : memref<10000x128xf32, #tpu.memory_space<vmem_shared>> -> memref<40x128xf32, #tpu.memory_space<vmem_shared>>
          %dma_wait3A_233 = arith.constant 0 : i32
          %dma_wait3A_234 = arith.constant 0 : i32
          %dma_wait3A_235 = tpu.memref_slice %arg12[%dma_wait3A_233, %dma_wait3A_234] : memref<10000x128xf32, #tpu.memory_space<vmem_shared>> -> memref<40x128xf32, #tpu.memory_space<vmem_shared>>
          tpu.wait_dma2 semaphore(%arg21 : memref<!tpu.dma_semaphore, #tpu.memory_space<semaphore_mem>>) src(%arg9 : memref<40x128xf32, #tpu.memory_space<vmem>>) dst(%dma_wait3A_235 : memref<40x128xf32, #tpu.memory_space<vmem_shared>>)
          %mul3A_236 = arith.constant 40 : i32
          %mul3A_237 = arith.muli %add3A_199, %mul3A_236 : i32
          %add3A_238 = arith.addi %add3A_27, %mul3A_237 : i32
          %dma_start3A_239 = arith.constant 0 : i32
          %dma_start3A_240 = tpu.memref_slice %arg2[%add3A_238, %dma_start3A_239] : memref<320000x128xf32, #tpu.memory_space<hbm>> -> memref<40x128xf32, #tpu.memory_space<hbm>>
          %dma_start3A_241 = arith.constant 0 : i32
          %dma_start3A_242 = tpu.memref_slice %arg2[%add3A_238, %dma_start3A_241] : memref<320000x128xf32, #tpu.memory_space<hbm>> -> memref<40x128xf32, #tpu.memory_space<hbm>>
          tpu.enqueue_dma source(%dma_start3A_242 : memref<40x128xf32, #tpu.memory_space<hbm>>) target(%arg9 : memref<40x128xf32, #tpu.memory_space<vmem>>) target_semaphore(%arg16 : memref<!tpu.dma_semaphore, #tpu.memory_space<semaphore_mem>>)
        } else {
        }
        %add3A_203 = arith.constant 4 : i32
        %add3A_204 = arith.addi %mul3A_94, %add3A_203 : i32
        %dma_wait3A_205 = arith.constant 0 : i32
        %dma_wait3A_206 = arith.constant 0 : i32
        %dma_wait3A_207 = tpu.memref_slice %arg2[%dma_wait3A_205, %dma_wait3A_206] : memref<320000x128xf32, #tpu.memory_space<hbm>> -> memref<40x128xf32, #tpu.memory_space<hbm>>
        %dma_wait3A_208 = arith.constant 0 : i32
        %dma_wait3A_209 = arith.constant 0 : i32
        %dma_wait3A_210 = tpu.memref_slice %arg2[%dma_wait3A_208, %dma_wait3A_209] : memref<320000x128xf32, #tpu.memory_space<hbm>> -> memref<40x128xf32, #tpu.memory_space<hbm>>
        tpu.wait_dma2 semaphore(%arg17 : memref<!tpu.dma_semaphore, #tpu.memory_space<semaphore_mem>>) src(%dma_wait3A_210 : memref<40x128xf32, #tpu.memory_space<hbm>>) dst(%arg10 : memref<40x128xf32, #tpu.memory_space<vmem>>)
        %dma_start3A_211 = arith.constant 0 : i32
        %dma_start3A_212 = tpu.memref_slice %arg5[%add3A_204, %dma_start3A_211] : memref<50x40xi32, #tpu.memory_space<vmem>> -> memref<1x40xi32, #tpu.memory_space<vmem>>
        %dma_start3A_213 = tpu.memref_squeeze %dma_start3A_212 : memref<1x40xi32, #tpu.memory_space<vmem>> -> memref<40xi32, #tpu.memory_space<vmem>>
        %dma_start3A_214 = arith.constant 0 : i32
        %dma_start3A_215 = arith.constant 0 : i32
        %dma_start3A_216 = tpu.memref_slice %arg12[%dma_start3A_214, %dma_start3A_215] : memref<10000x128xf32, #tpu.memory_space<vmem_shared>> -> memref<10000x128xf32, #tpu.memory_space<vmem_shared>>
        tpu.enqueue_indirect_dma source(%arg10 : memref<40x128xf32, #tpu.memory_space<vmem>>) target(%dma_start3A_216 : memref<10000x128xf32, #tpu.memory_space<vmem_shared>>) offsets(%dma_start3A_213 : memref<40xi32, #tpu.memory_space<vmem>>) semaphore(%arg22 : memref<!tpu.dma_semaphore, #tpu.memory_space<semaphore_mem>>) {add = true}
        %add3A_217 = arith.constant 4 : i32
        %add3A_218 = arith.addi %mul3A_94, %add3A_217 : i32
        %add3A_219 = arith.constant 5 : i32
        %add3A_220 = arith.addi %add3A_218, %add3A_219 : i32
        %lt3A_221 = arith.constant 50 : i32
        %lt3A_222 = arith.cmpi slt, %add3A_220, %lt3A_221 : i32
        %add3A_223 = arith.constant 4 : i32
        %add3A_224 = arith.addi %mul3A_94, %add3A_223 : i32
        %add3A_225 = arith.constant 5 : i32
        %add3A_226 = arith.addi %add3A_224, %add3A_225 : i32
        %convert_element_type3A_227 = arith.extui %lt3A_222 : i1 to i32
        %cond3A_228 = arith.constant 0 : i32
        %cond3A_229 = arith.cmpi ne, %convert_element_type3A_227, %cond3A_228 : i32
        scf.if %cond3A_229 {
          %dma_wait3A_230 = arith.constant 0 : i32
          %dma_wait3A_231 = arith.constant 0 : i32
          %dma_wait3A_232 = tpu.memref_slice %arg12[%dma_wait3A_230, %dma_wait3A_231] : memref<10000x128xf32, #tpu.memory_space<vmem_shared>> -> memref<40x128xf32, #tpu.memory_space<vmem_shared>>
          %dma_wait3A_233 = arith.constant 0 : i32
          %dma_wait3A_234 = arith.constant 0 : i32
          %dma_wait3A_235 = tpu.memref_slice %arg12[%dma_wait3A_233, %dma_wait3A_234] : memref<10000x128xf32, #tpu.memory_space<vmem_shared>> -> memref<40x128xf32, #tpu.memory_space<vmem_shared>>
          tpu.wait_dma2 semaphore(%arg22 : memref<!tpu.dma_semaphore, #tpu.memory_space<semaphore_mem>>) src(%arg10 : memref<40x128xf32, #tpu.memory_space<vmem>>) dst(%dma_wait3A_235 : memref<40x128xf32, #tpu.memory_space<vmem_shared>>)
          %mul3A_236 = arith.constant 40 : i32
          %mul3A_237 = arith.muli %add3A_226, %mul3A_236 : i32
          %add3A_238 = arith.addi %add3A_27, %mul3A_237 : i32
          %dma_start3A_239 = arith.constant 0 : i32
          %dma_start3A_240 = tpu.memref_slice %arg2[%add3A_238, %dma_start3A_239] : memref<320000x128xf32, #tpu.memory_space<hbm>> -> memref<40x128xf32, #tpu.memory_space<hbm>>
          %dma_start3A_241 = arith.constant 0 : i32
          %dma_start3A_242 = tpu.memref_slice %arg2[%add3A_238, %dma_start3A_241] : memref<320000x128xf32, #tpu.memory_space<hbm>> -> memref<40x128xf32, #tpu.memory_space<hbm>>
          tpu.enqueue_dma source(%dma_start3A_242 : memref<40x128xf32, #tpu.memory_space<hbm>>) target(%arg10 : memref<40x128xf32, #tpu.memory_space<vmem>>) target_semaphore(%arg17 : memref<!tpu.dma_semaphore, #tpu.memory_space<semaphore_mem>>)
        } else {
        }
      }
      %scan3A_62 = arith.constant 10 : i32
      %dma_wait3A = arith.constant 0 : i32
      %dma_wait3A_63 = arith.constant 0 : i32
      %dma_wait3A_64 = tpu.memref_slice %arg12[%dma_wait3A, %dma_wait3A_63] : memref<10000x128xf32, #tpu.memory_space<vmem_shared>> -> memref<40x128xf32, #tpu.memory_space<vmem_shared>>
      %dma_wait3A_65 = arith.constant 0 : i32
      %dma_wait3A_66 = arith.constant 0 : i32
      %dma_wait3A_67 = tpu.memref_slice %arg12[%dma_wait3A_65, %dma_wait3A_66] : memref<10000x128xf32, #tpu.memory_space<vmem_shared>> -> memref<40x128xf32, #tpu.memory_space<vmem_shared>>
      tpu.wait_dma2 semaphore(%arg18 : memref<!tpu.dma_semaphore, #tpu.memory_space<semaphore_mem>>) src(%arg6 : memref<40x128xf32, #tpu.memory_space<vmem>>) dst(%dma_wait3A_67 : memref<40x128xf32, #tpu.memory_space<vmem_shared>>)
      %dma_wait3A_68 = arith.constant 0 : i32
      %dma_wait3A_69 = arith.constant 0 : i32
      %dma_wait3A_70 = tpu.memref_slice %arg12[%dma_wait3A_68, %dma_wait3A_69] : memref<10000x128xf32, #tpu.memory_space<vmem_shared>> -> memref<40x128xf32, #tpu.memory_space<vmem_shared>>
      %dma_wait3A_71 = arith.constant 0 : i32
      %dma_wait3A_72 = arith.constant 0 : i32
      %dma_wait3A_73 = tpu.memref_slice %arg12[%dma_wait3A_71, %dma_wait3A_72] : memref<10000x128xf32, #tpu.memory_space<vmem_shared>> -> memref<40x128xf32, #tpu.memory_space<vmem_shared>>
      tpu.wait_dma2 semaphore(%arg19 : memref<!tpu.dma_semaphore, #tpu.memory_space<semaphore_mem>>) src(%arg7 : memref<40x128xf32, #tpu.memory_space<vmem>>) dst(%dma_wait3A_73 : memref<40x128xf32, #tpu.memory_space<vmem_shared>>)
      %dma_wait3A_74 = arith.constant 0 : i32
      %dma_wait3A_75 = arith.constant 0 : i32
      %dma_wait3A_76 = tpu.memref_slice %arg12[%dma_wait3A_74, %dma_wait3A_75] : memref<10000x128xf32, #tpu.memory_space<vmem_shared>> -> memref<40x128xf32, #tpu.memory_space<vmem_shared>>
      %dma_wait3A_77 = arith.constant 0 : i32
      %dma_wait3A_78 = arith.constant 0 : i32
      %dma_wait3A_79 = tpu.memref_slice %arg12[%dma_wait3A_77, %dma_wait3A_78] : memref<10000x128xf32, #tpu.memory_space<vmem_shared>> -> memref<40x128xf32, #tpu.memory_space<vmem_shared>>
      tpu.wait_dma2 semaphore(%arg20 : memref<!tpu.dma_semaphore, #tpu.memory_space<semaphore_mem>>) src(%arg8 : memref<40x128xf32, #tpu.memory_space<vmem>>) dst(%dma_wait3A_79 : memref<40x128xf32, #tpu.memory_space<vmem_shared>>)
      %dma_wait3A_80 = arith.constant 0 : i32
      %dma_wait3A_81 = arith.constant 0 : i32
      %dma_wait3A_82 = tpu.memref_slice %arg12[%dma_wait3A_80, %dma_wait3A_81] : memref<10000x128xf32, #tpu.memory_space<vmem_shared>> -> memref<40x128xf32, #tpu.memory_space<vmem_shared>>
      %dma_wait3A_83 = arith.constant 0 : i32
      %dma_wait3A_84 = arith.constant 0 : i32
      %dma_wait3A_85 = tpu.memref_slice %arg12[%dma_wait3A_83, %dma_wait3A_84] : memref<10000x128xf32, #tpu.memory_space<vmem_shared>> -> memref<40x128xf32, #tpu.memory_space<vmem_shared>>
      tpu.wait_dma2 semaphore(%arg21 : memref<!tpu.dma_semaphore, #tpu.memory_space<semaphore_mem>>) src(%arg9 : memref<40x128xf32, #tpu.memory_space<vmem>>) dst(%dma_wait3A_85 : memref<40x128xf32, #tpu.memory_space<vmem_shared>>)
      %dma_wait3A_86 = arith.constant 0 : i32
      %dma_wait3A_87 = arith.constant 0 : i32
      %dma_wait3A_88 = tpu.memref_slice %arg12[%dma_wait3A_86, %dma_wait3A_87] : memref<10000x128xf32, #tpu.memory_space<vmem_shared>> -> memref<40x128xf32, #tpu.memory_space<vmem_shared>>
      %dma_wait3A_89 = arith.constant 0 : i32
      %dma_wait3A_90 = arith.constant 0 : i32
      %dma_wait3A_91 = tpu.memref_slice %arg12[%dma_wait3A_89, %dma_wait3A_90] : memref<10000x128xf32, #tpu.memory_space<vmem_shared>> -> memref<40x128xf32, #tpu.memory_space<vmem_shared>>
      tpu.wait_dma2 semaphore(%arg22 : memref<!tpu.dma_semaphore, #tpu.memory_space<semaphore_mem>>) src(%arg10 : memref<40x128xf32, #tpu.memory_space<vmem>>) dst(%dma_wait3A_91 : memref<40x128xf32, #tpu.memory_space<vmem_shared>>)
    }
    %scan3A_15 = arith.constant 5 : i32
    %barrier3A_16 = arith.constant 0 : index
    tpu.barrier barrier_id(%barrier3A_16)
    %lt3A_17 = arith.constant 10 : i32
    %lt3A_18 = arith.cmpi slt, %arg1, %lt3A_17 : i32
    %convert_element_type3A_19 = arith.extui %lt3A_18 : i1 to i32
    %cond3A_20 = arith.constant 0 : i32
    %cond3A_21 = arith.cmpi ne, %convert_element_type3A_19, %cond3A_20 : i32
    scf.if %cond3A_21 {
      %mul3A_22 = arith.constant 1000 : i32
      %mul3A_23 = arith.muli %arg1, %mul3A_22 : i32
      %mul3A_24 = arith.constant 1000 : i32
      %mul3A_25 = arith.muli %arg1, %mul3A_24 : i32
      "tpu.region"() ({
        %run_scoped3A = tpu.sem_alloc : memref<!tpu.dma_semaphore, #tpu.memory_space<semaphore_mem>>
        %dma_start3A = arith.constant 0 : i32
        %dma_start3A_26 = tpu.memref_slice %arg4[%arg0, %mul3A_25, %dma_start3A] : memref<2x10000x128xf32, #tpu.memory_space<hbm>> -> memref<1x1000x128xf32, #tpu.memory_space<hbm>>
        %dma_start3A_27 = tpu.memref_squeeze %dma_start3A_26 : memref<1x1000x128xf32, #tpu.memory_space<hbm>> -> memref<1000x128xf32, #tpu.memory_space<hbm>>
        %dma_start3A_28 = arith.constant 0 : i32
        %dma_start3A_29 = tpu.memref_slice %arg12[%mul3A_23, %dma_start3A_28] : memref<10000x128xf32, #tpu.memory_space<vmem_shared>> -> memref<1000x128xf32, #tpu.memory_space<vmem_shared>>
        tpu.enqueue_dma source(%dma_start3A_29 : memref<1000x128xf32, #tpu.memory_space<vmem_shared>>) target(%dma_start3A_27 : memref<1000x128xf32, #tpu.memory_space<hbm>>) target_semaphore(%run_scoped3A : memref<!tpu.dma_semaphore, #tpu.memory_space<semaphore_mem>>)
        %dma_wait3A = arith.constant 0 : i32
        %dma_wait3A_30 = tpu.memref_slice %arg4[%arg0, %mul3A_25, %dma_wait3A] : memref<2x10000x128xf32, #tpu.memory_space<hbm>> -> memref<1x1000x128xf32, #tpu.memory_space<hbm>>
        %dma_wait3A_31 = tpu.memref_squeeze %dma_wait3A_30 : memref<1x1000x128xf32, #tpu.memory_space<hbm>> -> memref<1000x128xf32, #tpu.memory_space<hbm>>
        %dma_wait3A_32 = arith.constant 0 : i32
        %dma_wait3A_33 = tpu.memref_slice %arg12[%mul3A_23, %dma_wait3A_32] : memref<10000x128xf32, #tpu.memory_space<vmem_shared>> -> memref<1000x128xf32, #tpu.memory_space<vmem_shared>>
        tpu.wait_dma2 semaphore(%run_scoped3A : memref<!tpu.dma_semaphore, #tpu.memory_space<semaphore_mem>>) src(%dma_wait3A_33 : memref<1000x128xf32, #tpu.memory_space<vmem_shared>>) dst(%dma_wait3A_31 : memref<1000x128xf32, #tpu.memory_space<hbm>>)
        tpu.yield
      }) : () -> ()
    } else {
    }
    return
  }
}

module attributes {stable_mosaic.version = 14 : i64} {
  func.func @_proj_body(%arg0: i32, %arg1: memref<2000x128xf32, #tpu.memory_space<vmem>>, %arg2: memref<128x256xf32, #tpu.memory_space<vmem>>, %arg3: memref<1x256xf32, #tpu.memory_space<vmem>>, %arg4: memref<128x256xf32, #tpu.memory_space<vmem>>, %arg5: memref<1x256xf32, #tpu.memory_space<vmem>>, %arg6: memref<2000x128xi32, #tpu.memory_space<vmem>>, %arg7: memref<2000x128xi32, #tpu.memory_space<vmem>>) attributes {dimension_semantics = [#tpu.dimension_semantics<arbitrary>], iteration_bounds = array<i64: 5>, scalar_prefetch = 0 : i64, scratch_operands = 0 : i64, tpu.core_type = #tpu.core_type<tc>, window_params = [{transform_indices = @transform_0, window_bounds = array<i64: 2000, 128>}, {pipeline_mode = #tpu.pipeline_mode<synchronous>, transform_indices = @transform_1, window_bounds = array<i64: 128, 256>}, {pipeline_mode = #tpu.pipeline_mode<synchronous>, transform_indices = @transform_2, window_bounds = array<i64: 1, 256>}, {pipeline_mode = #tpu.pipeline_mode<synchronous>, transform_indices = @transform_3, window_bounds = array<i64: 128, 256>}, {pipeline_mode = #tpu.pipeline_mode<synchronous>, transform_indices = @transform_4, window_bounds = array<i64: 1, 256>}, {transform_indices = @transform_5, window_bounds = array<i64: 2000, 128>}, {transform_indices = @transform_6, window_bounds = array<i64: 2000, 128>}]} {
    %get3A = arith.constant 0 : index
    %get3A_0 = arith.constant 0 : index
    %get3A_1 = vector.load %arg1[%get3A, %get3A_0] : memref<2000x128xf32, #tpu.memory_space<vmem>>, vector<2000x128xf32>
    %get3A_2 = arith.constant 0 : index
    %get3A_3 = arith.constant 0 : index
    %get3A_4 = vector.load %arg2[%get3A_2, %get3A_3] : memref<128x256xf32, #tpu.memory_space<vmem>>, vector<128x256xf32>
    %dot_general3A = arith.constant dense<0.000000e+00> : vector<2000x256xf32>
    %dot_general3A_5 = tpu.matmul %get3A_1, %get3A_4, %dot_general3A {dimension_numbers = #tpu.dot_dimension_numbers<[1], [0], [0], [1], [0, 0, 1, 1], [], []>, transpose_lhs_hint = false} : vector<2000x128xf32>, vector<128x256xf32>, vector<2000x256xf32> -> vector<2000x256xf32>
    %get3A_6 = arith.constant 0 : index
    %get3A_7 = arith.constant 0 : index
    %get3A_8 = vector.load %arg3[%get3A_6, %get3A_7] : memref<1x256xf32, #tpu.memory_space<vmem>>, vector<1x256xf32>
    %add3A = vector.broadcast %get3A_8 : vector<1x256xf32> to vector<2000x256xf32>
    %add3A_9 = arith.addf %dot_general3A_5, %add3A : vector<2000x256xf32>
    %convert_element_type3A = arith.truncf %add3A_9 : vector<2000x256xf32> to vector<2000x256xbf16>
    %slice3A = vector.extract_strided_slice %convert_element_type3A {offsets = [0, 0], sizes = [2000, 128], strides = [1, 1]} : vector<2000x256xbf16> to vector<2000x128xbf16>
    %bitcast_convert_type3A = tpu.bitcast %slice3A : vector<2000x128xbf16> -> vector<2000x128xi16>
    %convert_element_type3A_10 = arith.extui %bitcast_convert_type3A : vector<2000x128xi16> to vector<2000x128xi32>
    %slice3A_11 = vector.extract_strided_slice %convert_element_type3A {offsets = [0, 128], sizes = [2000, 128], strides = [1, 1]} : vector<2000x256xbf16> to vector<2000x128xbf16>
    %bitcast_convert_type3A_12 = tpu.bitcast %slice3A_11 : vector<2000x128xbf16> -> vector<2000x128xi16>
    %convert_element_type3A_13 = arith.extui %bitcast_convert_type3A_12 : vector<2000x128xi16> to vector<2000x128xi32>
    %shift_left3A = arith.constant 16 : i32
    %shift_left3A_14 = vector.broadcast %shift_left3A : i32 to vector<2000x128xi32>
    %shift_left3A_15 = arith.shli %convert_element_type3A_13, %shift_left3A_14 : vector<2000x128xi32>
    %or3A = arith.ori %convert_element_type3A_10, %shift_left3A_15 : vector<2000x128xi32>
    %bitcast_convert_type3A_16 = tpu.bitcast %or3A : vector<2000x128xi32> -> vector<2000x128xi32>
    %swap3A = arith.constant 0 : index
    %swap3A_17 = arith.constant 0 : index
    %swap3A_18 = vector.load %arg6[%swap3A, %swap3A_17] : memref<2000x128xi32, #tpu.memory_space<vmem>>, vector<2000x128xi32>
    tpu.vector_store %arg6[%swap3A, %swap3A_17], %bitcast_convert_type3A_16 {strides = array<i32>} : memref<2000x128xi32, #tpu.memory_space<vmem>>, vector<2000x128xi32>,
    %get3A_19 = arith.constant 0 : index
    %get3A_20 = arith.constant 0 : index
    %get3A_21 = vector.load %arg4[%get3A_19, %get3A_20] : memref<128x256xf32, #tpu.memory_space<vmem>>, vector<128x256xf32>
    %dot_general3A_22 = arith.constant dense<0.000000e+00> : vector<2000x256xf32>
    %dot_general3A_23 = tpu.matmul %get3A_1, %get3A_21, %dot_general3A_22 {dimension_numbers = #tpu.dot_dimension_numbers<[1], [0], [0], [1], [0, 0, 1, 1], [], []>, transpose_lhs_hint = false} : vector<2000x128xf32>, vector<128x256xf32>, vector<2000x256xf32> -> vector<2000x256xf32>
    %get3A_24 = arith.constant 0 : index
    %get3A_25 = arith.constant 0 : index
    %get3A_26 = vector.load %arg5[%get3A_24, %get3A_25] : memref<1x256xf32, #tpu.memory_space<vmem>>, vector<1x256xf32>
    %add3A_27 = vector.broadcast %get3A_26 : vector<1x256xf32> to vector<2000x256xf32>
    %add3A_28 = arith.addf %dot_general3A_23, %add3A_27 : vector<2000x256xf32>
    %convert_element_type3A_29 = arith.truncf %add3A_28 : vector<2000x256xf32> to vector<2000x256xbf16>
    %slice3A_30 = vector.extract_strided_slice %convert_element_type3A_29 {offsets = [0, 0], sizes = [2000, 128], strides = [1, 1]} : vector<2000x256xbf16> to vector<2000x128xbf16>
    %bitcast_convert_type3A_31 = tpu.bitcast %slice3A_30 : vector<2000x128xbf16> -> vector<2000x128xi16>
    %convert_element_type3A_32 = arith.extui %bitcast_convert_type3A_31 : vector<2000x128xi16> to vector<2000x128xi32>
    %slice3A_33 = vector.extract_strided_slice %convert_element_type3A_29 {offsets = [0, 128], sizes = [2000, 128], strides = [1, 1]} : vector<2000x256xbf16> to vector<2000x128xbf16>
    %bitcast_convert_type3A_34 = tpu.bitcast %slice3A_33 : vector<2000x128xbf16> -> vector<2000x128xi16>
    %convert_element_type3A_35 = arith.extui %bitcast_convert_type3A_34 : vector<2000x128xi16> to vector<2000x128xi32>
    %shift_left3A_36 = arith.constant 16 : i32
    %shift_left3A_37 = vector.broadcast %shift_left3A_36 : i32 to vector<2000x128xi32>
    %shift_left3A_38 = arith.shli %convert_element_type3A_35, %shift_left3A_37 : vector<2000x128xi32>
    %or3A_39 = arith.ori %convert_element_type3A_32, %shift_left3A_38 : vector<2000x128xi32>
    %bitcast_convert_type3A_40 = tpu.bitcast %or3A_39 : vector<2000x128xi32> -> vector<2000x128xi32>
    %swap3A_41 = arith.constant 0 : index
    %swap3A_42 = arith.constant 0 : index
    %swap3A_43 = vector.load %arg7[%swap3A_41, %swap3A_42] : memref<2000x128xi32, #tpu.memory_space<vmem>>, vector<2000x128xi32>
    tpu.vector_store %arg7[%swap3A_41, %swap3A_42], %bitcast_convert_type3A_40 {strides = array<i32>} : memref<2000x128xi32, #tpu.memory_space<vmem>>, vector<2000x128xi32>,
    return
  }
  func.func @transform_0(%arg0: i32) -> (i32, i32) {
    %c0_i32 = arith.constant 0 : i32
    %c0_i32_0 = arith.constant 0 : i32
    return %arg0, %c0_i32 : i32, i32
  }
  func.func @transform_1(%arg0: i32) -> (i32, i32) {
    %c0_i32 = arith.constant 0 : i32
    %c0_i32_0 = arith.constant 0 : i32
    %c0_i32_1 = arith.constant 0 : i32
    return %c0_i32, %c0_i32_0 : i32, i32
  }
  func.func @transform_2(%arg0: i32) -> (i32, i32) {
    %c0_i32 = arith.constant 0 : i32
    %c0_i32_0 = arith.constant 0 : i32
    %c0_i32_1 = arith.constant 0 : i32
    return %c0_i32, %c0_i32_0 : i32, i32
  }
  func.func @transform_3(%arg0: i32) -> (i32, i32) {
    %c0_i32 = arith.constant 0 : i32
    %c0_i32_0 = arith.constant 0 : i32
    %c0_i32_1 = arith.constant 0 : i32
    return %c0_i32, %c0_i32_0 : i32, i32
  }
  func.func @transform_4(%arg0: i32) -> (i32, i32) {
    %c0_i32 = arith.constant 0 : i32
    %c0_i32_0 = arith.constant 0 : i32
    %c0_i32_1 = arith.constant 0 : i32
    return %c0_i32, %c0_i32_0 : i32, i32
  }
  func.func @transform_5(%arg0: i32) -> (i32, i32) {
    %c0_i32 = arith.constant 0 : i32
    %c0_i32_0 = arith.constant 0 : i32
    return %arg0, %c0_i32 : i32, i32
  }
  func.func @transform_6(%arg0: i32) -> (i32, i32) {
    %c0_i32 = arith.constant 0 : i32
    %c0_i32_0 = arith.constant 0 : i32
    return %arg0, %c0_i32 : i32, i32
  }
}

module attributes {stable_mosaic.version = 14 : i64} {
  func.func @_stats_body(%arg0: i32, %arg1: memref<8000x128xi32, #tpu.memory_space<vmem>>, %arg2: memref<8000x128xi32, #tpu.memory_space<vmem>>, %arg3: memref<8000x16xf32, #tpu.memory_space<vmem>>, %arg4: memref<16x256xf32, #tpu.memory_space<vmem>>, %arg5: memref<1x256xf32, #tpu.memory_space<vmem>>, %arg6: memref<2x256xf32, #tpu.memory_space<vmem>>, %arg7: memref<2x256xf32, #tpu.memory_space<vmem>>) attributes {dimension_semantics = [#tpu.dimension_semantics<arbitrary>], iteration_bounds = array<i64: 40>, scalar_prefetch = 0 : i64, scratch_operands = 1 : i64, tpu.core_type = #tpu.core_type<tc>, window_params = [{transform_indices = @transform_0, window_bounds = array<i64: 8000, 128>}, {transform_indices = @transform_1, window_bounds = array<i64: 8000, 128>}, {transform_indices = @transform_2, window_bounds = array<i64: 8000, 16>}, {pipeline_mode = #tpu.pipeline_mode<synchronous>, transform_indices = @transform_3, window_bounds = array<i64: 16, 256>}, {pipeline_mode = #tpu.pipeline_mode<synchronous>, transform_indices = @transform_4, window_bounds = array<i64: 1, 256>}, {pipeline_mode = #tpu.pipeline_mode<synchronous>, transform_indices = @transform_5, window_bounds = array<i64: 2, 256>}]} {
    %eq3A = arith.constant 0 : i32
    %eq3A_0 = arith.cmpi eq, %arg0, %eq3A : i32
    %convert_element_type3A = arith.extui %eq3A_0 : i1 to i32
    %cond3A = arith.constant 0 : i32
    %cond3A_1 = arith.cmpi ne, %convert_element_type3A, %cond3A : i32
    scf.if %cond3A_1 {
      %broadcast_in_dim3A_56 = arith.constant 0.000000e+00 : f32
      %broadcast_in_dim3A_57 = vector.broadcast %broadcast_in_dim3A_56 : f32 to vector<2x256xf32>
      %swap3A_58 = arith.constant 0 : index
      %swap3A_59 = arith.constant 0 : index
      %swap3A_60 = vector.load %arg7[%swap3A_58, %swap3A_59] : memref<2x256xf32, #tpu.memory_space<vmem>>, vector<2x256xf32>
      tpu.vector_store %arg7[%swap3A_58, %swap3A_59], %broadcast_in_dim3A_57 {strides = array<i32>} : memref<2x256xf32, #tpu.memory_space<vmem>>, vector<2x256xf32>,
    } else {
    }
    %get3A = arith.constant 0 : index
    %get3A_2 = arith.constant 0 : index
    %get3A_3 = vector.load %arg1[%get3A, %get3A_2] : memref<8000x128xi32, #tpu.memory_space<vmem>>, vector<8000x128xi32>
    %shift_left3A = arith.constant 16 : i32
    %shift_left3A_4 = vector.broadcast %shift_left3A : i32 to vector<8000x128xi32>
    %shift_left3A_5 = arith.shli %get3A_3, %shift_left3A_4 : vector<8000x128xi32>
    %bitcast_convert_type3A = tpu.bitcast %shift_left3A_5 : vector<8000x128xi32> -> vector<8000x128xf32>
    %and3A = arith.constant -65536 : i32
    %and3A_6 = vector.broadcast %and3A : i32 to vector<8000x128xi32>
    %and3A_7 = arith.andi %get3A_3, %and3A_6 : vector<8000x128xi32>
    %bitcast_convert_type3A_8 = tpu.bitcast %and3A_7 : vector<8000x128xi32> -> vector<8000x128xf32>
    %concatenate3A = tpu.concatenate %bitcast_convert_type3A, %bitcast_convert_type3A_8 in 1 : vector<8000x128xf32>, vector<8000x128xf32> -> vector<8000x256xf32>
    %get3A_9 = arith.constant 0 : index
    %get3A_10 = arith.constant 0 : index
    %get3A_11 = vector.load %arg2[%get3A_9, %get3A_10] : memref<8000x128xi32, #tpu.memory_space<vmem>>, vector<8000x128xi32>
    %shift_left3A_12 = arith.constant 16 : i32
    %shift_left3A_13 = vector.broadcast %shift_left3A_12 : i32 to vector<8000x128xi32>
    %shift_left3A_14 = arith.shli %get3A_11, %shift_left3A_13 : vector<8000x128xi32>
    %bitcast_convert_type3A_15 = tpu.bitcast %shift_left3A_14 : vector<8000x128xi32> -> vector<8000x128xf32>
    %and3A_16 = arith.constant -65536 : i32
    %and3A_17 = vector.broadcast %and3A_16 : i32 to vector<8000x128xi32>
    %and3A_18 = arith.andi %get3A_11, %and3A_17 : vector<8000x128xi32>
    %bitcast_convert_type3A_19 = tpu.bitcast %and3A_18 : vector<8000x128xi32> -> vector<8000x128xf32>
    %concatenate3A_20 = tpu.concatenate %bitcast_convert_type3A_15, %bitcast_convert_type3A_19 in 1 : vector<8000x128xf32>, vector<8000x128xf32> -> vector<8000x256xf32>
    %add3A = arith.addf %concatenate3A, %concatenate3A_20 : vector<8000x256xf32>
    %get3A_21 = arith.constant 0 : index
    %get3A_22 = arith.constant 0 : index
    %get3A_23 = vector.load %arg3[%get3A_21, %get3A_22] : memref<8000x16xf32, #tpu.memory_space<vmem>>, vector<8000x16xf32>
    %get3A_24 = arith.constant 0 : index
    %get3A_25 = arith.constant 0 : index
    %get3A_26 = vector.load %arg4[%get3A_24, %get3A_25] : memref<16x256xf32, #tpu.memory_space<vmem>>, vector<16x256xf32>
    %dot_general3A = arith.constant dense<0.000000e+00> : vector<8000x256xf32>
    %dot_general3A_27 = tpu.matmul %get3A_23, %get3A_26, %dot_general3A {dimension_numbers = #tpu.dot_dimension_numbers<[1], [0], [0], [1], [0, 0, 1, 1], [], []>, transpose_lhs_hint = false} : vector<8000x16xf32>, vector<16x256xf32>, vector<8000x256xf32> -> vector<8000x256xf32>
    %add3A_28 = arith.addf %add3A, %dot_general3A_27 : vector<8000x256xf32>
    %get3A_29 = arith.constant 0 : index
    %get3A_30 = arith.constant 0 : index
    %get3A_31 = vector.load %arg5[%get3A_29, %get3A_30] : memref<1x256xf32, #tpu.memory_space<vmem>>, vector<1x256xf32>
    %add3A_32 = vector.broadcast %get3A_31 : vector<1x256xf32> to vector<8000x256xf32>
    %add3A_33 = arith.addf %add3A_28, %add3A_32 : vector<8000x256xf32>
    %get3A_34 = arith.constant 0 : index
    %get3A_35 = arith.constant 0 : index
    %get3A_36 = vector.load %arg7[%get3A_34, %get3A_35] : memref<2x256xf32, #tpu.memory_space<vmem>>, vector<1x256xf32>
    %reduce_sum3A = arith.constant dense<0.000000e+00> : vector<256xf32>
    %reduce_sum3A_37 = vector.multi_reduction <add>, %add3A_33, %reduce_sum3A [0] : vector<8000x256xf32> to vector<256xf32>
    %broadcast_in_dim3A = vector.shape_cast %reduce_sum3A_37 : vector<256xf32> to vector<1x256xf32>
    %add3A_38 = arith.addf %get3A_36, %broadcast_in_dim3A : vector<1x256xf32>
    %swap3A = arith.constant 0 : index
    %swap3A_39 = arith.constant 0 : index
    %swap3A_40 = vector.load %arg7[%swap3A, %swap3A_39] : memref<2x256xf32, #tpu.memory_space<vmem>>, vector<1x256xf32>
    tpu.vector_store %arg7[%swap3A, %swap3A_39], %add3A_38 {strides = array<i32>} : memref<2x256xf32, #tpu.memory_space<vmem>>, vector<1x256xf32>,
    %get3A_41 = arith.constant 1 : index
    %get3A_42 = arith.constant 0 : index
    %get3A_43 = vector.load %arg7[%get3A_41, %get3A_42] : memref<2x256xf32, #tpu.memory_space<vmem>>, vector<1x256xf32>
    %mul3A = arith.mulf %add3A_33, %add3A_33 : vector<8000x256xf32>
    %reduce_sum3A_44 = arith.constant dense<0.000000e+00> : vector<256xf32>
    %reduce_sum3A_45 = vector.multi_reduction <add>, %mul3A, %reduce_sum3A_44 [0] : vector<8000x256xf32> to vector<256xf32>
    %broadcast_in_dim3A_46 = vector.shape_cast %reduce_sum3A_45 : vector<256xf32> to vector<1x256xf32>
    %add3A_47 = arith.addf %get3A_43, %broadcast_in_dim3A_46 : vector<1x256xf32>
    %swap3A_48 = arith.constant 1 : index
    %swap3A_49 = arith.constant 0 : index
    %swap3A_50 = vector.load %arg7[%swap3A_48, %swap3A_49] : memref<2x256xf32, #tpu.memory_space<vmem>>, vector<1x256xf32>
    tpu.vector_store %arg7[%swap3A_48, %swap3A_49], %add3A_47 {strides = array<i32>} : memref<2x256xf32, #tpu.memory_space<vmem>>, vector<1x256xf32>,
    %eq3A_51 = arith.constant 39 : i32
    %eq3A_52 = arith.cmpi eq, %arg0, %eq3A_51 : i32
    %convert_element_type3A_53 = arith.extui %eq3A_52 : i1 to i32
    %cond3A_54 = arith.constant 0 : i32
    %cond3A_55 = arith.cmpi ne, %convert_element_type3A_53, %cond3A_54 : i32
    scf.if %cond3A_55 {
      %get3A_56 = arith.constant 0 : index
      %get3A_57 = arith.constant 0 : index
      %get3A_58 = vector.load %arg7[%get3A_56, %get3A_57] : memref<2x256xf32, #tpu.memory_space<vmem>>, vector<2x256xf32>
      %swap3A_59 = arith.constant 0 : index
      %swap3A_60 = arith.constant 0 : index
      %swap3A_61 = vector.load %arg6[%swap3A_59, %swap3A_60] : memref<2x256xf32, #tpu.memory_space<vmem>>, vector<2x256xf32>
      tpu.vector_store %arg6[%swap3A_59, %swap3A_60], %get3A_58 {strides = array<i32>} : memref<2x256xf32, #tpu.memory_space<vmem>>, vector<2x256xf32>,
    } else {
    }
    return
  }
  func.func @transform_0(%arg0: i32) -> (i32, i32) {
    %c0_i32 = arith.constant 0 : i32
    %c0_i32_0 = arith.constant 0 : i32
    return %arg0, %c0_i32 : i32, i32
  }
  func.func @transform_1(%arg0: i32) -> (i32, i32) {
    %c0_i32 = arith.constant 0 : i32
    %c0_i32_0 = arith.constant 0 : i32
    return %arg0, %c0_i32 : i32, i32
  }
  func.func @transform_2(%arg0: i32) -> (i32, i32) {
    %c0_i32 = arith.constant 0 : i32
    %c0_i32_0 = arith.constant 0 : i32
    return %arg0, %c0_i32 : i32, i32
  }
  func.func @transform_3(%arg0: i32) -> (i32, i32) {
    %c0_i32 = arith.constant 0 : i32
    %c0_i32_0 = arith.constant 0 : i32
    %c0_i32_1 = arith.constant 0 : i32
    return %c0_i32, %c0_i32_0 : i32, i32
  }
  func.func @transform_4(%arg0: i32) -> (i32, i32) {
    %c0_i32 = arith.constant 0 : i32
    %c0_i32_0 = arith.constant 0 : i32
    %c0_i32_1 = arith.constant 0 : i32
    return %c0_i32, %c0_i32_0 : i32, i32
  }
  func.func @transform_5(%arg0: i32) -> (i32, i32) {
    %c0_i32 = arith.constant 0 : i32
    %c0_i32_0 = arith.constant 0 : i32
    %c0_i32_1 = arith.constant 0 : i32
    return %c0_i32, %c0_i32_0 : i32, i32
  }
}

module attributes {stable_mosaic.version = 14 : i64} {
  func.func @_act_body(%arg0: i32, %arg1: memref<8000x128xi32, #tpu.memory_space<vmem>>, %arg2: memref<8000x128xi32, #tpu.memory_space<vmem>>, %arg3: memref<8000x16xf32, #tpu.memory_space<vmem>>, %arg4: memref<16x256xf32, #tpu.memory_space<vmem>>, %arg5: memref<1x256xf32, #tpu.memory_space<vmem>>, %arg6: memref<2x256xf32, #tpu.memory_space<vmem>>, %arg7: memref<2x256xf32, #tpu.memory_space<vmem>>, %arg8: memref<1x256xf32, #tpu.memory_space<vmem>>, %arg9: memref<1x256xf32, #tpu.memory_space<vmem>>, %arg10: memref<8000x128xf32, #tpu.memory_space<vmem>>) attributes {dimension_semantics = [#tpu.dimension_semantics<arbitrary>], iteration_bounds = array<i64: 40>, scalar_prefetch = 0 : i64, scratch_operands = 0 : i64, tpu.core_type = #tpu.core_type<tc>, window_params = [{transform_indices = @transform_0, window_bounds = array<i64: 8000, 128>}, {transform_indices = @transform_1, window_bounds = array<i64: 8000, 128>}, {transform_indices = @transform_2, window_bounds = array<i64: 8000, 16>}, {pipeline_mode = #tpu.pipeline_mode<synchronous>, transform_indices = @transform_3, window_bounds = array<i64: 16, 256>}, {pipeline_mode = #tpu.pipeline_mode<synchronous>, transform_indices = @transform_4, window_bounds = array<i64: 1, 256>}, {pipeline_mode = #tpu.pipeline_mode<synchronous>, transform_indices = @transform_5, window_bounds = array<i64: 2, 256>}, {pipeline_mode = #tpu.pipeline_mode<synchronous>, transform_indices = @transform_6, window_bounds = array<i64: 2, 256>}, {pipeline_mode = #tpu.pipeline_mode<synchronous>, transform_indices = @transform_7, window_bounds = array<i64: 1, 256>}, {pipeline_mode = #tpu.pipeline_mode<synchronous>, transform_indices = @transform_8, window_bounds = array<i64: 1, 256>}, {transform_indices = @transform_9, window_bounds = array<i64: 8000, 128>}]} {
    %get3A = arith.constant 0 : index
    %get3A_0 = arith.constant 0 : index
    %get3A_1 = vector.load %arg1[%get3A, %get3A_0] : memref<8000x128xi32, #tpu.memory_space<vmem>>, vector<8000x128xi32>
    %shift_left3A = arith.constant 16 : i32
    %shift_left3A_2 = vector.broadcast %shift_left3A : i32 to vector<8000x128xi32>
    %shift_left3A_3 = arith.shli %get3A_1, %shift_left3A_2 : vector<8000x128xi32>
    %bitcast_convert_type3A = tpu.bitcast %shift_left3A_3 : vector<8000x128xi32> -> vector<8000x128xf32>
    %and3A = arith.constant -65536 : i32
    %and3A_4 = vector.broadcast %and3A : i32 to vector<8000x128xi32>
    %and3A_5 = arith.andi %get3A_1, %and3A_4 : vector<8000x128xi32>
    %bitcast_convert_type3A_6 = tpu.bitcast %and3A_5 : vector<8000x128xi32> -> vector<8000x128xf32>
    %concatenate3A = tpu.concatenate %bitcast_convert_type3A, %bitcast_convert_type3A_6 in 1 : vector<8000x128xf32>, vector<8000x128xf32> -> vector<8000x256xf32>
    %get3A_7 = arith.constant 0 : index
    %get3A_8 = arith.constant 0 : index
    %get3A_9 = vector.load %arg2[%get3A_7, %get3A_8] : memref<8000x128xi32, #tpu.memory_space<vmem>>, vector<8000x128xi32>
    %shift_left3A_10 = arith.constant 16 : i32
    %shift_left3A_11 = vector.broadcast %shift_left3A_10 : i32 to vector<8000x128xi32>
    %shift_left3A_12 = arith.shli %get3A_9, %shift_left3A_11 : vector<8000x128xi32>
    %bitcast_convert_type3A_13 = tpu.bitcast %shift_left3A_12 : vector<8000x128xi32> -> vector<8000x128xf32>
    %and3A_14 = arith.constant -65536 : i32
    %and3A_15 = vector.broadcast %and3A_14 : i32 to vector<8000x128xi32>
    %and3A_16 = arith.andi %get3A_9, %and3A_15 : vector<8000x128xi32>
    %bitcast_convert_type3A_17 = tpu.bitcast %and3A_16 : vector<8000x128xi32> -> vector<8000x128xf32>
    %concatenate3A_18 = tpu.concatenate %bitcast_convert_type3A_13, %bitcast_convert_type3A_17 in 1 : vector<8000x128xf32>, vector<8000x128xf32> -> vector<8000x256xf32>
    %add3A = arith.addf %concatenate3A, %concatenate3A_18 : vector<8000x256xf32>
    %get3A_19 = arith.constant 0 : index
    %get3A_20 = arith.constant 0 : index
    %get3A_21 = vector.load %arg3[%get3A_19, %get3A_20] : memref<8000x16xf32, #tpu.memory_space<vmem>>, vector<8000x16xf32>
    %get3A_22 = arith.constant 0 : index
    %get3A_23 = arith.constant 0 : index
    %get3A_24 = vector.load %arg4[%get3A_22, %get3A_23] : memref<16x256xf32, #tpu.memory_space<vmem>>, vector<16x256xf32>
    %dot_general3A = arith.constant dense<0.000000e+00> : vector<8000x256xf32>
    %dot_general3A_25 = tpu.matmul %get3A_21, %get3A_24, %dot_general3A {dimension_numbers = #tpu.dot_dimension_numbers<[1], [0], [0], [1], [0, 0, 1, 1], [], []>, transpose_lhs_hint = false} : vector<8000x16xf32>, vector<16x256xf32>, vector<8000x256xf32> -> vector<8000x256xf32>
    %add3A_26 = arith.addf %add3A, %dot_general3A_25 : vector<8000x256xf32>
    %get3A_27 = arith.constant 0 : index
    %get3A_28 = arith.constant 0 : index
    %get3A_29 = vector.load %arg5[%get3A_27, %get3A_28] : memref<1x256xf32, #tpu.memory_space<vmem>>, vector<1x256xf32>
    %add3A_30 = vector.broadcast %get3A_29 : vector<1x256xf32> to vector<8000x256xf32>
    %add3A_31 = arith.addf %add3A_26, %add3A_30 : vector<8000x256xf32>
    %get3A_32 = arith.constant 0 : index
    %get3A_33 = arith.constant 0 : index
    %get3A_34 = vector.load %arg6[%get3A_32, %get3A_33] : memref<2x256xf32, #tpu.memory_space<vmem>>, vector<2x256xf32>
    %get3A_35 = arith.constant 0 : index
    %get3A_36 = arith.constant 0 : index
    %get3A_37 = vector.load %arg7[%get3A_35, %get3A_36] : memref<2x256xf32, #tpu.memory_space<vmem>>, vector<2x256xf32>
    %add3A_38 = arith.addf %get3A_34, %get3A_37 : vector<2x256xf32>
    %slice3A = vector.extract_strided_slice %add3A_38 {offsets = [0, 0], sizes = [1, 256], strides = [1, 1]} : vector<2x256xf32> to vector<1x256xf32>
    %div3A = arith.constant 3.200000e+05 : f32
    %div3A_39 = vector.broadcast %div3A : f32 to vector<1x256xf32>
    %div3A_40 = arith.divf %slice3A, %div3A_39 : vector<1x256xf32>
    %slice3A_41 = vector.extract_strided_slice %add3A_38 {offsets = [1, 0], sizes = [1, 256], strides = [1, 1]} : vector<2x256xf32> to vector<1x256xf32>
    %div3A_42 = arith.constant 3.200000e+05 : f32
    %div3A_43 = vector.broadcast %div3A_42 : f32 to vector<1x256xf32>
    %div3A_44 = arith.divf %slice3A_41, %div3A_43 : vector<1x256xf32>
    %mul3A = arith.mulf %div3A_40, %div3A_40 : vector<1x256xf32>
    %sub3A = arith.subf %div3A_44, %mul3A : vector<1x256xf32>
    %get3A_45 = arith.constant 0 : index
    %get3A_46 = arith.constant 0 : index
    %get3A_47 = vector.load %arg8[%get3A_45, %get3A_46] : memref<1x256xf32, #tpu.memory_space<vmem>>, vector<1x256xf32>
    %add3A_48 = arith.constant 9.99999974E-6 : f32
    %add3A_49 = vector.broadcast %add3A_48 : f32 to vector<1x256xf32>
    %add3A_50 = arith.addf %sub3A, %add3A_49 : vector<1x256xf32>
    %rsqrt3A = math.rsqrt %add3A_50 : vector<1x256xf32>
    %mul3A_51 = arith.mulf %get3A_47, %rsqrt3A : vector<1x256xf32>
    %get3A_52 = arith.constant 0 : index
    %get3A_53 = arith.constant 0 : index
    %get3A_54 = vector.load %arg9[%get3A_52, %get3A_53] : memref<1x256xf32, #tpu.memory_space<vmem>>, vector<1x256xf32>
    %mul3A_55 = arith.mulf %div3A_40, %mul3A_51 : vector<1x256xf32>
    %sub3A_56 = arith.subf %get3A_54, %mul3A_55 : vector<1x256xf32>
    %mul3A_57 = vector.broadcast %mul3A_51 : vector<1x256xf32> to vector<8000x256xf32>
    %mul3A_58 = arith.mulf %add3A_31, %mul3A_57 : vector<8000x256xf32>
    %add3A_59 = vector.broadcast %sub3A_56 : vector<1x256xf32> to vector<8000x256xf32>
    %add3A_60 = arith.addf %mul3A_58, %add3A_59 : vector<8000x256xf32>
    %slice3A_61 = vector.extract_strided_slice %add3A_60 {offsets = [0, 0], sizes = [8000, 128], strides = [1, 1]} : vector<8000x256xf32> to vector<8000x128xf32>
    %slice3A_62 = vector.extract_strided_slice %add3A_60 {offsets = [0, 128], sizes = [8000, 128], strides = [1, 1]} : vector<8000x256xf32> to vector<8000x128xf32>
    %logistic3A = arith.negf %slice3A_61 : vector<8000x128xf32>
    %logistic3A_63 = math.exp %logistic3A : vector<8000x128xf32>
    %logistic3A_64 = arith.constant 1.000000e+00 : f32
    %logistic3A_65 = vector.broadcast %logistic3A_64 : f32 to vector<8000x128xf32>
    %logistic3A_66 = arith.addf %logistic3A_65, %logistic3A_63 : vector<8000x128xf32>
    %logistic3A_67 = arith.divf %logistic3A_65, %logistic3A_66 : vector<8000x128xf32>
    %custom_jvp_call3A = arith.constant 0.000000e+00 : f32
    %max3A = vector.broadcast %custom_jvp_call3A : f32 to vector<8000x128xf32>
    %max3A_68 = arith.maximumf %slice3A_62, %max3A : vector<8000x128xf32>
    %sub3A_69 = vector.broadcast %custom_jvp_call3A : f32 to vector<8000x128xf32>
    %sub3A_70 = arith.subf %slice3A_62, %sub3A_69 : vector<8000x128xf32>
    %ne3A = arith.cmpf one, %sub3A_70, %sub3A_70 : vector<8000x128xf32>
    %add3A_71 = vector.broadcast %custom_jvp_call3A : f32 to vector<8000x128xf32>
    %add3A_72 = arith.addf %slice3A_62, %add3A_71 : vector<8000x128xf32>
    %abs3A = math.absf %sub3A_70 : vector<8000x128xf32>
    %neg3A = arith.constant 0.000000e+00 : f32
    %neg3A_73 = vector.broadcast %neg3A : f32 to vector<8000x128xf32>
    %neg3A_74 = arith.subf %neg3A_73, %abs3A : vector<8000x128xf32>
    %exp3A = math.exp %neg3A_74 : vector<8000x128xf32>
    %log1p3A = math.log1p %exp3A : vector<8000x128xf32>
    %add3A_75 = arith.addf %max3A_68, %log1p3A : vector<8000x128xf32>
    %select_n3A = arith.select %ne3A, %add3A_72, %add3A_75 : vector<8000x128xi1>, vector<8000x128xf32>
    %mul3A_76 = arith.mulf %logistic3A_67, %select_n3A : vector<8000x128xf32>
    %swap3A = arith.constant 0 : index
    %swap3A_77 = arith.constant 0 : index
    %swap3A_78 = vector.load %arg10[%swap3A, %swap3A_77] : memref<8000x128xf32, #tpu.memory_space<vmem>>, vector<8000x128xf32>
    tpu.vector_store %arg10[%swap3A, %swap3A_77], %mul3A_76 {strides = array<i32>} : memref<8000x128xf32, #tpu.memory_space<vmem>>, vector<8000x128xf32>,
    return
  }
  func.func @transform_0(%arg0: i32) -> (i32, i32) {
    %c0_i32 = arith.constant 0 : i32
    %c0_i32_0 = arith.constant 0 : i32
    return %arg0, %c0_i32 : i32, i32
  }
  func.func @transform_1(%arg0: i32) -> (i32, i32) {
    %c0_i32 = arith.constant 0 : i32
    %c0_i32_0 = arith.constant 0 : i32
    return %arg0, %c0_i32 : i32, i32
  }
  func.func @transform_2(%arg0: i32) -> (i32, i32) {
    %c0_i32 = arith.constant 0 : i32
    %c0_i32_0 = arith.constant 0 : i32
    return %arg0, %c0_i32 : i32, i32
  }
  func.func @transform_3(%arg0: i32) -> (i32, i32) {
    %c0_i32 = arith.constant 0 : i32
    %c0_i32_0 = arith.constant 0 : i32
    %c0_i32_1 = arith.constant 0 : i32
    return %c0_i32, %c0_i32_0 : i32, i32
  }
  func.func @transform_4(%arg0: i32) -> (i32, i32) {
    %c0_i32 = arith.constant 0 : i32
    %c0_i32_0 = arith.constant 0 : i32
    %c0_i32_1 = arith.constant 0 : i32
    return %c0_i32, %c0_i32_0 : i32, i32
  }
  func.func @transform_5(%arg0: i32) -> (i32, i32) {
    %c0_i32 = arith.constant 0 : i32
    %c0_i32_0 = arith.constant 0 : i32
    %c0_i32_1 = arith.constant 0 : i32
    return %c0_i32, %c0_i32_0 : i32, i32
  }
  func.func @transform_6(%arg0: i32) -> (i32, i32) {
    %c0_i32 = arith.constant 0 : i32
    %c0_i32_0 = arith.constant 0 : i32
    %c0_i32_1 = arith.constant 0 : i32
    return %c0_i32, %c0_i32_0 : i32, i32
  }
  func.func @transform_7(%arg0: i32) -> (i32, i32) {
    %c0_i32 = arith.constant 0 : i32
    %c0_i32_0 = arith.constant 0 : i32
    %c0_i32_1 = arith.constant 0 : i32
    return %c0_i32, %c0_i32_0 : i32, i32
  }
  func.func @transform_8(%arg0: i32) -> (i32, i32) {
    %c0_i32 = arith.constant 0 : i32
    %c0_i32_0 = arith.constant 0 : i32
    %c0_i32_1 = arith.constant 0 : i32
    return %c0_i32, %c0_i32_0 : i32, i32
  }
  func.func @transform_9(%arg0: i32) -> (i32, i32) {
    %c0_i32 = arith.constant 0 : i32
    %c0_i32_0 = arith.constant 0 : i32
    return %arg0, %c0_i32 : i32, i32
  }
}

module attributes {stable_mosaic.version = 14 : i64} {
  func.func @_final_body(%arg0: memref<2x10000x128xf32, #tpu.memory_space<vmem>>, %arg1: memref<2x10000x128xf32, #tpu.memory_space<vmem>>, %arg2: memref<10000x128xf32, #tpu.memory_space<vmem>>, %arg3: memref<1x128xf32, #tpu.memory_space<vmem>>, %arg4: memref<1x128xf32, #tpu.memory_space<vmem>>, %arg5: memref<10000x128xf32, #tpu.memory_space<vmem>>) attributes {dimension_semantics = [], scalar_prefetch = 0 : i64, scratch_operands = 0 : i64, tpu.core_type = #tpu.core_type<tc>} {
    %get3A = arith.constant 0 : index
    %get3A_0 = arith.constant 0 : index
    %get3A_1 = arith.constant 0 : index
    %get3A_2 = vector.load %arg0[%get3A, %get3A_0, %get3A_1] : memref<2x10000x128xf32, #tpu.memory_space<vmem>>, vector<1x10000x128xf32>
    %get3A_3 = vector.shape_cast %get3A_2 : vector<1x10000x128xf32> to vector<10000x128xf32>
    %get3A_4 = arith.constant 1 : index
    %get3A_5 = arith.constant 0 : index
    %get3A_6 = arith.constant 0 : index
    %get3A_7 = vector.load %arg0[%get3A_4, %get3A_5, %get3A_6] : memref<2x10000x128xf32, #tpu.memory_space<vmem>>, vector<1x10000x128xf32>
    %get3A_8 = vector.shape_cast %get3A_7 : vector<1x10000x128xf32> to vector<10000x128xf32>
    %add3A = arith.addf %get3A_3, %get3A_8 : vector<10000x128xf32>
    %get3A_9 = arith.constant 0 : index
    %get3A_10 = arith.constant 0 : index
    %get3A_11 = arith.constant 0 : index
    %get3A_12 = vector.load %arg1[%get3A_9, %get3A_10, %get3A_11] : memref<2x10000x128xf32, #tpu.memory_space<vmem>>, vector<1x10000x128xf32>
    %get3A_13 = vector.shape_cast %get3A_12 : vector<1x10000x128xf32> to vector<10000x128xf32>
    %add3A_14 = arith.addf %add3A, %get3A_13 : vector<10000x128xf32>
    %get3A_15 = arith.constant 1 : index
    %get3A_16 = arith.constant 0 : index
    %get3A_17 = arith.constant 0 : index
    %get3A_18 = vector.load %arg1[%get3A_15, %get3A_16, %get3A_17] : memref<2x10000x128xf32, #tpu.memory_space<vmem>>, vector<1x10000x128xf32>
    %get3A_19 = vector.shape_cast %get3A_18 : vector<1x10000x128xf32> to vector<10000x128xf32>
    %add3A_20 = arith.addf %add3A_14, %get3A_19 : vector<10000x128xf32>
    %reduce_sum3A = arith.constant dense<0.000000e+00> : vector<128xf32>
    %reduce_sum3A_21 = vector.multi_reduction <add>, %add3A_20, %reduce_sum3A [0] : vector<10000x128xf32> to vector<128xf32>
    %broadcast_in_dim3A = vector.shape_cast %reduce_sum3A_21 : vector<128xf32> to vector<1x128xf32>
    %div3A = arith.constant 1.000000e+04 : f32
    %div3A_22 = vector.broadcast %div3A : f32 to vector<1x128xf32>
    %div3A_23 = arith.divf %broadcast_in_dim3A, %div3A_22 : vector<1x128xf32>
    %mul3A = arith.mulf %add3A_20, %add3A_20 : vector<10000x128xf32>
    %reduce_sum3A_24 = arith.constant dense<0.000000e+00> : vector<128xf32>
    %reduce_sum3A_25 = vector.multi_reduction <add>, %mul3A, %reduce_sum3A_24 [0] : vector<10000x128xf32> to vector<128xf32>
    %broadcast_in_dim3A_26 = vector.shape_cast %reduce_sum3A_25 : vector<128xf32> to vector<1x128xf32>
    %div3A_27 = arith.constant 1.000000e+04 : f32
    %div3A_28 = vector.broadcast %div3A_27 : f32 to vector<1x128xf32>
    %div3A_29 = arith.divf %broadcast_in_dim3A_26, %div3A_28 : vector<1x128xf32>
    %mul3A_30 = arith.mulf %div3A_23, %div3A_23 : vector<1x128xf32>
    %sub3A = arith.subf %div3A_29, %mul3A_30 : vector<1x128xf32>
    %sub3A_31 = vector.broadcast %div3A_23 : vector<1x128xf32> to vector<10000x128xf32>
    %sub3A_32 = arith.subf %add3A_20, %sub3A_31 : vector<10000x128xf32>
    %add3A_33 = arith.constant 9.99999974E-6 : f32
    %add3A_34 = vector.broadcast %add3A_33 : f32 to vector<1x128xf32>
    %add3A_35 = arith.addf %sub3A, %add3A_34 : vector<1x128xf32>
    %rsqrt3A = math.rsqrt %add3A_35 : vector<1x128xf32>
    %mul3A_36 = vector.broadcast %rsqrt3A : vector<1x128xf32> to vector<10000x128xf32>
    %mul3A_37 = arith.mulf %sub3A_32, %mul3A_36 : vector<10000x128xf32>
    %get3A_38 = arith.constant 0 : index
    %get3A_39 = arith.constant 0 : index
    %get3A_40 = vector.load %arg3[%get3A_38, %get3A_39] : memref<1x128xf32, #tpu.memory_space<vmem>>, vector<1x128xf32>
    %mul3A_41 = vector.broadcast %get3A_40 : vector<1x128xf32> to vector<10000x128xf32>
    %mul3A_42 = arith.mulf %mul3A_37, %mul3A_41 : vector<10000x128xf32>
    %get3A_43 = arith.constant 0 : index
    %get3A_44 = arith.constant 0 : index
    %get3A_45 = vector.load %arg4[%get3A_43, %get3A_44] : memref<1x128xf32, #tpu.memory_space<vmem>>, vector<1x128xf32>
    %add3A_46 = vector.broadcast %get3A_45 : vector<1x128xf32> to vector<10000x128xf32>
    %add3A_47 = arith.addf %mul3A_42, %add3A_46 : vector<10000x128xf32>
    %get3A_48 = arith.constant 0 : index
    %get3A_49 = arith.constant 0 : index
    %get3A_50 = vector.load %arg2[%get3A_48, %get3A_49] : memref<10000x128xf32, #tpu.memory_space<vmem>>, vector<10000x128xf32>
    %add3A_51 = arith.addf %get3A_50, %add3A_47 : vector<10000x128xf32>
    %custom_jvp_call3A = arith.constant 0.000000e+00 : f32
    %max3A = vector.broadcast %custom_jvp_call3A : f32 to vector<10000x128xf32>
    %max3A_52 = arith.maximumf %add3A_51, %max3A : vector<10000x128xf32>
    %sub3A_53 = vector.broadcast %custom_jvp_call3A : f32 to vector<10000x128xf32>
    %sub3A_54 = arith.subf %add3A_51, %sub3A_53 : vector<10000x128xf32>
    %ne3A = arith.cmpf one, %sub3A_54, %sub3A_54 : vector<10000x128xf32>
    %add3A_55 = vector.broadcast %custom_jvp_call3A : f32 to vector<10000x128xf32>
    %add3A_56 = arith.addf %add3A_51, %add3A_55 : vector<10000x128xf32>
    %abs3A = math.absf %sub3A_54 : vector<10000x128xf32>
    %neg3A = arith.constant 0.000000e+00 : f32
    %neg3A_57 = vector.broadcast %neg3A : f32 to vector<10000x128xf32>
    %neg3A_58 = arith.subf %neg3A_57, %abs3A : vector<10000x128xf32>
    %exp3A = math.exp %neg3A_58 : vector<10000x128xf32>
    %log1p3A = math.log1p %exp3A : vector<10000x128xf32>
    %add3A_59 = arith.addf %max3A_52, %log1p3A : vector<10000x128xf32>
    %select_n3A = arith.select %ne3A, %add3A_56, %add3A_59 : vector<10000x128xi1>, vector<10000x128xf32>
    %swap3A = arith.constant 0 : index
    %swap3A_60 = arith.constant 0 : index
    %swap3A_61 = vector.load %arg5[%swap3A, %swap3A_60] : memref<10000x128xf32, #tpu.memory_space<vmem>>, vector<10000x128xf32>
    tpu.vector_store %arg5[%swap3A, %swap3A_60], %select_n3A {strides = array<i32>} : memref<10000x128xf32, #tpu.memory_space<vmem>>, vector<10000x128xf32>,
    return
  }
}

</mosaic_0001>

<sc_bundles>
// kernel: kernel.11.cloned.1.call-start
scs
__scs_entry_jumppad:
0x0: {  	(pc) =	sbr.rel $0x88, $3  }
0x1: {  	(tag) =	ssettag $0x0;
	lr =	simm.s32 $0x1  }
0x2: {  	[smem:$0x3F94] =	sst lr;
	_ =	strace $0xD0000000  }
0x3: {  	_ = 	snop  }
0x4: {  	_ = 	snop  }
0x5: {  	_ = 	snop  }
0x6: {  	_ = 	snop  }
0x7: {  	_ = 	snop  }
__scs_overlays_trampoline_lowered:
0x8: {  	[smem:$0x3FA3] =	sst s0  }
0x9: {  	[smem:$0x3FA4] =	sst s1  }
0xa: {  	[smem:$0x3FA5] =	sst s2  }
0xb: {  	[smem:$0x3FA6] =	sst s3  }
0xc: {  	[smem:$0x3FA7] =	sst s4  }
0xd: {  	[smem:$0x3FA8] =	sst s5  }
0xe: {  	[smem:$0x3FA9] =	sst s6  }
0xf: {  	[smem:$0x3FAA] =	sst s7  }
0x10: {  	[smem:$0x3FAB] =	sst s8  }
0x11: {  	[smem:$0x3FAC] =	sst s9;
	s0 =	simm.s32 @!p0 $0x0  }
0x12: {  	s1 =	sld [smem:$0x3F92];
	s0 =	simm.s32 @p0 $0x1  }
0x13: {  	[smem:$0x3FAD] =	sst s0;
	s0 =	simm.s32 @!p1 $0x0  }
0x14: {  	s2 =	sld [smem:$0x3F91];
	s0 =	simm.s32 @p1 $0x1  }
0x15: {  	[smem:$0x3FAE] =	sst s0;
	s0 =	simm.s32 @!p2 $0x0  }
0x16: {  	s3 =	sld [smem:$0x3FDB];
	s0 =	simm.s32 @p2 $0x1  }
0x17: {  	s4 =	simm.s32 $0x1BF5;
	[smem:$0x3FB0] =	sst s0  }
0x18: {  	s0 =	sld [smem:$0x3F93];
	_ =	swait.ge [sflag:s4], $0x0  }
0x19: {  	s7 =	sld [smem:$0x3F94]  }
0x1a: {  	s8 =	sadd.s32 $0xFFFFE003, lr  }
0x1b: {  	s9 =	sadd.s32 $0xFFFFFEF7, lr;
	s5 =	simm.s32 $0xFFFFFFFF;
	p2 =	slt.u32 s8, $0xFFFFF086  }
0x1c: {  	p1 =	slt.u32 s9, $0xF7A;
	s5 =	simm.s32 @!p2 $0x0  }
0x1d: {  	s5 =	simm.s32 @p1 $0x1;
	p0 =	seq.s32 s7, s2  }
0x1e: {  	s7 =	smul.u32 @!p0 $0xF7A, s2;
	p2 =	seq.s32 @!p0 s5, $0x0  }
0x1f: {  	s9 =	smul.u32 $0xF7A, s1;
	s8 =	simm.s32 @!p0 $0x1BF5;
	p2 =	por !p2, p0  }
0x20: {  	[sflag:s8] =	ssyncset.s32 @!p0 $0xFFFFF086;
	s6 =	sadd.s32 @!p0 s3, s7;
	s7 =	simm.s32 @!p0 $0x108  }
0x21: {  	s3 =	sadd.s32 s3, s9;
	s6 =	sadd.s32 @!p0 $0x88, s6;
	s7 =	simm.s32 @p2 $0x1082  }
0x22: {  	[simem:s7], [sflag:s8] =	dma.local @!p0 [hbm:s6], $0xF7A  }
0x23: {  	s9 =	sor.u32 $0xD0000000, s2;
	s6 =	simm.s32 $0x108;
	_ =	swait.ge @!p0 [sflag:s8], $0x0  }
0x24: {  	s3 =	sadd.s32 $0x88, s3;
	s6 =	simm.s32 @!p1 $0x1082;
	[sflag:s4] =	ssyncset.s32 $0xFFFFF086  }
0x25: {  	[simem:s6], [sflag:s4] =	dma.local [hbm:s3], $0xF7A  }
0x26: {  	[smem:$0x3F94] =	sst s1;
	(tag) =	ssettag s2;
	_ =	strace s9  }
0x27: {  	s1 =	sld [smem:$0x3FA4]  }
0x28: {  	s2 =	sld [smem:$0x3FA5]  }
0x29: {  	s4 =	sld [smem:$0x3FA7]  }
0x2a: {  	p0 =	seq.s32 s5, $0x0;
	s5 =	sld [smem:$0x3FA8]  }
0x2b: {  	s6 =	sld [smem:$0x3FA9]  }
0x2c: {  	s7 =	sld [smem:$0x3FAA]  }
0x2d: {  	s3 =	simm.s32 $0x108;
	s8 =	sld [smem:$0x3FAB]  }
0x2e: {  	s3 =	simm.s32 @!p0 $0x1082;
	s9 =	sld [smem:$0x3FAC]  }
0x2f: {  	lr =	sadd.s32 s0, s3;
	s0 =	sld [smem:$0x3FA3]  }
0x30: {  	s3 =	sld [smem:$0x3FA6]  }
0x31: {  	[smem:$0x3FAF] =	sst s10  }
0x32: {  	s10 =	sld [smem:$0x3FAD];
	_ =	sdelay $0x3  }
0x33: {  	p0 =	seq.s32 s10, $0x1;
	s10 =	sld [smem:$0x3FAF];
	_ =	sdelay $0x3  }
0x34: {  	[smem:$0x3FAF] =	sst s10  }
0x35: {  	s10 =	sld [smem:$0x3FAE];
	_ =	sdelay $0x3  }
0x36: {  	p1 =	seq.s32 s10, $0x1;
	s10 =	sld [smem:$0x3FAF];
	_ =	sdelay $0x3  }
0x37: {  	[smem:$0x3FAF] =	sst s10  }
0x38: {  	s10 =	sld [smem:$0x3FB0]  }
0x39: {  	_ = 	snop;
	(pc) =	sbr.ind lr, $3  }
0x3a: {  	_ = 	snop  }
0x3b: {  	_ = 	snop  }
0x3c: {  	p2 =	seq.s32 s10, $0x1;
	s10 =	sld [smem:$0x3FAF]  }
0x3d: {  	_ =	shalt  }
0x3e: {  	_ =	shalt  }
0x3f: {  	_ =	shalt  }
0x40: {  	_ =	shalt  }
0x41: {  	_ =	shalt  }
0x42: {  	_ =	shalt  }
0x43: {  	_ =	shalt  }
0x44: {  	_ =	shalt  }
0x45: {  	_ =	shalt  }
0x46: {  	_ =	shalt  }
0x47: {  	_ =	shalt  }
0x48: {  	_ =	shalt  }
0x49: {  	_ =	shalt  }
0x4a: {  	_ =	shalt  }
0x4b: {  	_ =	shalt  }
0x4c: {  	_ =	shalt  }
0x4d: {  	_ =	shalt  }
0x4e: {  	_ =	shalt  }
0x4f: {  	_ =	shalt  }
0x50: {  	_ =	shalt  }
0x51: {  	_ =	shalt  }
0x52: {  	_ =	shalt  }
0x53: {  	_ =	shalt  }
0x54: {  	_ =	shalt  }
0x55: {  	_ =	shalt  }
0x56: {  	_ =	shalt  }
0x57: {  	_ =	shalt  }
0x58: {  	_ =	shalt  }
0x59: {  	_ =	shalt  }
0x5a: {  	_ =	shalt  }
0x5b: {  	_ =	shalt  }
0x5c: {  	_ =	shalt  }
0x5d: {  	_ =	shalt  }
0x5e: {  	_ =	shalt  }
0x5f: {  	_ =	shalt  }
0x60: {  	_ =	shalt  }
0x61: {  	_ =	shalt  }
0x62: {  	_ =	shalt  }
0x63: {  	_ =	shalt  }
0x64: {  	_ =	shalt  }
0x65: {  	_ =	shalt  }
0x66: {  	_ =	shalt  }
0x67: {  	_ =	shalt  }
0x68: {  	_ =	shalt  }
0x69: {  	_ =	shalt  }
0x6a: {  	_ =	shalt  }
0x6b: {  	_ =	shalt  }
0x6c: {  	_ =	shalt  }
0x6d: {  	_ =	shalt  }
0x6e: {  	_ =	shalt  }
0x6f: {  	_ =	shalt  }
0x70: {  	_ =	shalt  }
0x71: {  	_ =	shalt  }
0x72: {  	_ =	shalt  }
0x73: {  	_ =	shalt  }
0x74: {  	_ =	shalt  }
0x75: {  	_ =	shalt  }
0x76: {  	_ =	shalt  }
0x77: {  	_ =	shalt  }
0x78: {  	_ =	shalt  }
0x79: {  	_ =	shalt  }
0x7a: {  	_ =	shalt  }
0x7b: {  	_ =	shalt  }
0x7c: {  	_ =	shalt  }
0x7d: {  	_ =	shalt  }
0x7e: {  	_ =	shalt  }
0x7f: {  	_ =	shalt  }
0x80: {  	_ =	shalt  }
0x81: {  	_ =	shalt  }
0x82: {  	_ =	shalt  }
0x83: {  	_ =	shalt  }
0x84: {  	_ =	shalt  }
0x85: {  	_ =	shalt  }
0x86: {  	_ =	shalt  }
0x87: {  	_ =	shalt  }
.Lfunc_end0:
.L_simem_size_0:
called_computation.1_lowered:
.L_overlay_start_0:
0x88: {  	s2 =	sld [smem:$0x3FD9]  }
0x89: {  	s3 =	sld [smem:$0x3FFE];
	_ =	sdelay $0x1  }
0x8a: {  	s1 =	srdreg.scid  }
0x8b: {  	s0 =	sand.u32 $0x1, s1  }
0x8c: {  	s16 =	sshll.u32 s0, $0xA;
	s2 =	sadd.s32 s3, s2  }
0x8d: {  	s2 =	sadd.s32 s2, s16  }
0x8e: {  	[smem:$0x3FBB] =	sst s2  }
0x8f: {  	_ = 	snop  }
0x90: {  	(tm) =	ssettm $0x1  }
0x91: {  	s17 =	sld [smem:$0x3FFB];
	_ =	sdelay $0x3  }
0x92: {  	_ =	strace s17  }
0x93: {  	s2 =	sld [smem:$0x3FFC];
	_ =	sdelay $0x3  }
0x94: {  	_ =	strace s2  }
0x95: {  	s2 =	sld [smem:$0x3FFD];
	_ =	sdelay $0x3  }
0x96: {  	_ =	strace s2  }
0x97: {  	_ =	strace $0x8FFFFFFF  }
0x98: {  	s18 =	sld [smem:$0x3FDB];
	_ =	sdelay $0x1  }
0x99: {  	s19 =	simm.s32 $_scs_section_size  }
0x9a: {  	s4 =	simm.s32 $_size__tile_overlayer_lowered;
	s5 =	simm.s32 $_tile_overlayer_lowered  }
0x9b: {  	s22 =	simm.s32 $0x1BFF;
	s21 =	sshll.u32 s5, $0x1;
	s2 =	sadd.s32 s19, s18  }
0x9c: {  	s6 =	simm.s32 $0x0;
	s20 =	sshll.u32 s4, $0x1;
	s4 =	sadd.s32 s21, s2  }
0x9d: {  	[timem:s6], [sflag:s22] =	dma.local [hbm:s4], s20  }
0x9e: {  	_ =	swait.ge [sflag:s22], s20  }
0x9f: {  	s3 =	ssub.s32 $0x0, s20;
	[sflag:s22] =	ssyncset.done $0x0  }
0xa0: {  	[sflag:s22] =	ssyncadd.s32 s3;
	_ =	sdelay $0x1  }
0xa1: {  	s23 =	simm.s32 $0x1B8B  }
0xa2: {  	_ =	swait.ge [sflag:s23], $0x1  }
0xa3: {  	[sflag:s23] =	ssyncset.done $0x0  }
0xa4: {  	s25 =	simm.s32 $0x1B8E;
	s24 =	sld [smem:$0x3FFE];
	[sflag:s23] =	ssyncadd.s32 $0xFFFFFFFF  }
0xa5: {  	s26 =	simm.s32 $execute0_lowered;
	[smem:$0x3FD2] =	sst s25  }
0xa6: {  	s4 =	sshll.u32 s26, $0x1;
	_ =	strace $0x80000049;
	[dreg:$0x1] =	wrdreg $0xFFFFFFFF  }
0xa7: {  	s28 =	simm.s32 $_size_execute0_lowered;
	s2 =	sadd.s32 s2, s4;
	[dreg:$0x0] =	wrdreg $0x0  }
0xa8: {  	s4 =	sshll.u32 s28, $0x1;
	[dreg:$0x2] =	wrdreg s2  }
0xa9: {  	[dreg:$0x3] =	wrdreg s4  }
0xaa: {  	[dreg:$0x4] =	wrdreg $0xC0  }
0xab: {  	_ =	task [dreg:s6], $0x5FFFF  }
0xac: {  	[dreg:$0x1] =	wrdreg $0xFFFFFFFF  }
0xad: {  	[dreg:$0x0] =	wrdreg $0x60  }
0xae: {  	[dreg:$0x2] =	wrdreg s24  }
0xaf: {  	[dreg:$0x3] =	wrdreg $0x94000  }
0xb0: {  	[dreg:$0x4] =	wrdreg $0x9  }
0xb1: {  	_ =	task.clear_ibuf [dreg:s6], $0x5FFFF;
	_ =	strace $0x90000049  }
0xb2: {  	s29 =	simm.s32 $0x9;
	_ =	strace $0x8000004B  }
0xb3: {  	_ =	swait.ge [sflag:s29], $0x1  }
0xb4: {  	[sflag:s29] =	ssyncadd.s32 $0xFFFFFFFF  }
0xb5: {  	_ =	strace $0x9000004B  }
0xb6: {  	_ =	sfence  }
0xb7: {  	s30 =	sld [smem:$0x0];
	_ =	sdelay $0x2  }
0xb8: {  	s31 =	sshll.u32 s1, $0xD;
	s1 =	sshrl.u32 s1, $0x2  }
0xb9: {  	s3 =	sand.u32 $0x4000, s31;
	s1 =	sadd.s32 s1, s30  }
0xba: {  	s0 =	sor.u32 s3, s0;
	s1 =	sshll.u32 s1, $0x11  }
0xbb: {  	s0 =	sor.u32 s1, s0  }
0xbc: {  	s0 =	sadd.s32 $0x8F2B, s0  }
0xbd: {  	[sflag:s0] =	ssyncadd.remote.s32 $0x1  }
0xbe: {  	_ =	sfence.sel $0xFFFF  }
0xbf: {  	[dreg:$0x0] =	wrdreg $0xFFFFFFFF;
	(pc) =	sbr.abs _section_cstart, $3  }
0xc0: {  	[dreg:$0x1] =	wrdreg $0xFFFFFFFF  }
0xc1: {  	_ =	task.clear_ibuf [dreg:s6], $0x2FFFF;
	_ =	strace $0x9FFFFFFF  }
0xc2: {  	(tm) =	ssettm $0x7FFFFFFF  }
0xc3: {  	_ =	shalt  }
tec
execute0_lowered:
.L_overlay_start_1:
0x0: {  	(tag) =	ssettag $0x1  }
0x1: {  	s0 =	rddreg [dreg:$0x0]  }
0x2: {  	s1 =	rddreg [dreg:$0x1];
	s2 =	srdreg.scid;
	s3 =	simm.s32 $0x0  }
0x3: {  	s4 =	stileid.u32;
	s16 =	simm.s32 $0x8000;
	s17 =	simm.s32 $0xB  }
0x4: {  	s28 =	simm.s32 $0x6;
	s29 =	simm.s32 $0x7;
	s30 =	simm.s32 $0x8  }
0x5: {  	s31 =	simm.s32 $0x9;
	s6 =	smul.u32 $0x1F400, s4;
	s15 =	sadd.s32 $0xF07600, s0  }
0x6: {  	s2 =	sand.u32 $0x1, s2;
	s18 =	sadd.s32 $0xA02600, s0;
	s21 =	sadd.s32 $0xF07880, s0  }
0x7: {  	[smem:$0x7FF] =	sst s3;
	s13 =	smul.u32 $0x7D000, s4;
	s22 =	sadd.s32 $0xF07B00, s0  }
0x8: {  	s11 =	sadd.s32 $0xF08000, s0;
	s23 =	smul.u32 $0x27100, s4;
	p0 =	sgt.u32 s4, $0x9  }
0x9: {  	s5 =	smul.u32 $0x138800, s2;
	_ =	strace $0x8000004A;
	[dreg:$0x3] =	wrdreg s18  }
0xa: {  	s7 =	sshll.u32 s2, $0x4;
	s9 =	ssub.s32 $0x2, s2;
	[dreg:$0x6] =	wrdreg s21  }
0xb: {  	[dreg:$0x7] =	wrdreg s22;
	s2 =	smul.u32 $0x271000, s2;
	s18 =	simm.s32 $0x1C00  }
0xc: {  	s22 =	simm.s32 $0x6C00;
	s7 =	sor.u32 s4, s7;
	s10 =	sshrl.u32 s9, $0x1  }
0xd: {  	s25 =	sshrl.u32 s13, $0x2;
	s6 =	sadd.s32 s6, s5;
	s19 =	smul.u32 $0x2710, s7  }
0xe: {  	s20 =	smul.u32 $0x8C00, s7;
	s14 =	ssub.s32 s9, s10;
	s10 =	sadd.s32 $0xF07D80, s0  }
0xf: {  	s9 =	smov.u32 s15;
	s2 =	sadd.s32 s2, s15;
	s13 =	sadd.s32 s25, s1  }
0x10: {  	s25 =	simm.s32 $0x3;
	s8 =	sshrl.u32 s6, $0x3;
	[dreg:$0x4] =	wrdreg s19  }
.Ltmp0:
0x11: {  	s26 =	smax.u32 s14, $0x1;
	[dreg:$0x5] =	wrdreg s20;
	(pc) =	sbr.rel .LBB2_1-.Ltmp0, $4  }
0x12: {  	s5 =	simm.s32 $0x0;
	s12 =	sadd.s32 s8, s0;
	[dreg:$0x9] =	wrdreg s26  }
0x13: {  	s0 =	sadd.s32 s23, s2;
	s20 =	simm.s32 $0x4400;
	s23 =	simm.s32 $0x1  }
0x14: {  	s26 =	simm.s32 $0x5;
	s24 =	sadd.s32 $0xA25600, s12;
	[dreg:$0xa] =	wrdreg s0  }
0x15: {  	v0 =	vimm.f32 $0.0e+00;
	s0 =	simm.s32 $0xA;
	[dreg:$0x8] =	wrdreg s24;
	s24 =	simm.s32 $0x28  }
.LBB2_12:
0x16: {  	s2 =	stileid.u32  }
0x17: {  	[bflag:$0x0] =	sbarrier.arrive $0xFFFF;
	s2 =	sshll.u32 @!p0 s2, $0x6  }
0x18: {  	s4 =	sshrl.u32 @!p0 s13, $0x3;
	s5 =	rddreg [dreg:$0x8];
	s2 =	sor.u32 @!p0 $0x1C0B, s2  }
0x19: {  	[hbm:s5], [sflag:s2] =	dma.local @!p0 [spmem:s4], $0x3E80  }
0x1a: {  	s2 =	simm.s32 @!p0 $0xB  }
0x1b: {  	_ =	swait.ge @!p0 [sflag:s2], $0x3E80  }
0x1c: {  	s19 =	rddreg [dreg:$0xb]  }
0x1d: {  	s21 =	rddreg [dreg:$0x9];
	s5 =	sadd.s32 $0x1, s19  }
0x1e: {  	p1 =	sne.s32 s5, s21  }
.Ltmp1:
0x1f: {  	_ = 	snop;
	(pc) =	sbr.rel @!p1 .LBB2_13-.Ltmp1, $3  }
0x20: {  	_ =	sdelay $0x1  }
0x21: {  	[sflag:s2] =	ssyncset.done @!p0 $0x0  }
0x22: {  	[sflag:s2] =	ssyncadd.s32 @!p0 $0xFFFFC180  }
.LBB2_1:
0x23: {  	s2 =	simm.s32 $0x0;
	s12 =	simm.s32 $0x200  }
.LBB2_2:
0x24: {  	p1 =	sne.s32 s12, $0x4E00;
	[tilespmem:s2+$0x8070] =	vst v0  }
0x25: {  	[tilespmem:s2+$0x8000] =	vst v0  }
0x26: {  	[tilespmem:s2+$0x8010] =	vst v0  }
.Ltmp2:
0x27: {  	[tilespmem:s2+$0x8020] =	vst v0;
	(pc) =	sbr.rel @p1 .LBB2_2-.Ltmp2, $4  }
0x28: {  	[tilespmem:s2+$0x8030] =	vst v0  }
0x29: {  	[tilespmem:s2+$0x8040] =	vst v0  }
0x2a: {  	[tilespmem:s2+$0x8050] =	vst v0  }
0x2b: {  	[tilespmem:s2+$0x8060] =	vst v0;
	s2 =	sshra.s32 s12, $0x2;
	s12 =	sadd.s32 $0x200, s12  }
0x2c: {  	[tilespmem:s2+$0x8070] =	vst v0  }
0x2d: {  	[tilespmem:s2+$0x8000] =	vst v0  }
0x2e: {  	[tilespmem:s2+$0x8010] =	vst v0  }
.Ltmp3:
0x2f: {  	[tilespmem:s2+$0x8020] =	vst v0;
	(pc) =	sbr.rel @p0 .LBB2_7-.Ltmp3, $4  }
0x30: {  	[tilespmem:s2+$0x8030] =	vst v0  }
0x31: {  	[tilespmem:s2+$0x8040] =	vst v0  }
0x32: {  	[tilespmem:s2+$0x8050] =	vst v0  }
0x33: {  	[tilespmem:s2+$0x8060] =	vst v0  }
0x34: {  	s2 =	sadd.s32 $0x0, s13  }
0x35: {  	[spmem:s2] =	stream.linear.scatter [tilespmem:s16], [sflag:$0xB], $0x1400, $0x38;
	[tilespmem:$0x1CC80] =	vst v63  }
0x36: {  	s2 =	simm.s32 $0x5000;
	_ =	swait.ge [sflag:s17], $0x1400  }
.LBB2_5:
0x37: {  	s12 =	sshra.s32 s2, $0x2;
	[sflag:s17] =	ssyncset.done $0x0;
	p1 =	sne.s32 s2, $0x78000  }
.Ltmp4:
0x38: {  	s12 =	sadd.s32 s12, s13;
	[sflag:s17] =	ssyncadd.s32 $0xFFFFEC00;
	(pc) =	sbr.rel @p1 .LBB2_5-.Ltmp4, $3  }
0x39: {  	[spmem:s12] =	stream.linear.scatter [tilespmem:s16], [sflag:$0xB], $0x1400, $0x38;
	[tilespmem:$0x1CC80] =	vst v63  }
0x3a: {  	s2 =	sadd.s32 $0x5000, s2;
	_ =	sdelay $0x1  }
0x3b: {  	_ =	swait.ge [sflag:s17], $0x1400  }
0x3c: {  	[sflag:s17] =	ssyncset.done $0x0  }
0x3d: {  	[sflag:s17] =	ssyncadd.s32 $0xFFFFEC00  }
.LBB2_7:
.Ltmp5:
0x3e: {  	(pc) =	sbr.rel .LBB2_8-.Ltmp5, $4  }
0x3f: {  	_ = 	snop  }
0x40: {  	[dreg:$0xb] =	wrdreg s5  }
0x41: {  	[bflag:$0x0] =	sbarrier.arrive $0xFFFF  }
0x42: {  	s12 =	simm.s32 $0x0;
	s14 =	simm.s32 $0x0;
	s15 =	rddreg [dreg:$0xa]  }
.LBB2_11:
0x43: {  	_ =	swait.ge [sflag:s28], $0x1400  }
0x44: {  	[sflag:s28] =	ssyncset.done $0x0  }
0x45: {  	[sflag:s28] =	ssyncadd.s32 $0xFFFFEC00  }
0x46: {  	_ =	swait.ge [sflag:s29], $0x1400  }
0x47: {  	[sflag:s29] =	ssyncset.done $0x0  }
0x48: {  	[sflag:s29] =	ssyncadd.s32 $0xFFFFEC00  }
0x49: {  	_ =	swait.ge [sflag:s30], $0x1400  }
0x4a: {  	[sflag:s30] =	ssyncset.done $0x0  }
0x4b: {  	s14 =	sadd.s32 $0x1, s14;
	[sflag:s30] =	ssyncadd.s32 $0xFFFFEC00  }
0x4c: {  	p1 =	sne.s32 s14, $0x5;
	_ =	swait.ge [sflag:s31], $0x1400  }
.Ltmp6:
0x4d: {  	[sflag:s31] =	ssyncset.done $0x0;
	(pc) =	sbr.rel @!p1 .LBB2_12-.Ltmp6, $4  }
0x4e: {  	[sflag:s31] =	ssyncadd.s32 $0xFFFFEC00  }
0x4f: {  	_ =	swait.ge [sflag:s0], $0x1400  }
0x50: {  	[sflag:s0] =	ssyncset.done $0x0  }
0x51: {  	s15 =	sadd.s32 $0x7D00, s15;
	[sflag:s0] =	ssyncadd.s32 $0xFFFFEC00  }
.LBB2_8:
0x52: {  	s2 =	smul.u32 $0x1C00, s14  }
0x53: {  	s4 =	rddreg [dreg:$0x5]  }
0x54: {  	s2 =	sadd.s32 s4, s2  }
0x55: {  	s6 =	rddreg [dreg:$0x3];
	s2 =	sshrl.u32 s2, $0x3  }
0x56: {  	s2 =	sadd.s32 s6, s2  }
0x57: {  	[tilespmem:s12], [sflag:$0xB] =	stream.linear.gather [hbm4b:s2+s12], $0x1900, $0x38;
	[tilespmem:$0x1CC80] =	vst v63  }
0x58: {  	s19 =	smul.u32 $0x7D0, s14;
	_ =	swait.ge [sflag:s17], $0x1900  }
0x59: {  	s7 =	rddreg [dreg:$0x4]  }
0x5a: {  	s2 =	sadd.s32 s7, s19  }
0x5b: {  	[sflag:s17] =	ssyncset.done $0x0;
	s2 =	sshll.u32 s2, $0x4  }
0x5c: {  	s21 =	rddreg [dreg:$0x6];
	[sflag:s17] =	ssyncadd.s32 $0xFFFFE700;
	s8 =	sadd.s32 s9, s2  }
0x5d: {  	[tilespmem:s18], [sflag:$0x1] =	stream.linear.gather [hbm4b:s8+s12], $0x1400, $0x38;
	[tilespmem:$0x1CC80] =	vst v63  }
0x5e: {  	s5 =	simm.s32 $0x3000;
	s6 =	rddreg [dreg:$0x7];
	s4 =	sadd.s32 s2, s21  }
0x5f: {  	[tilespmem:s5], [sflag:$0x2] =	stream.linear.gather [hbm4b:s4+s12], $0x1400, $0x38;
	[tilespmem:$0x1CC80] =	vst v63  }
0x60: {  	s7 =	sadd.s32 s2, s6  }
0x61: {  	[tilespmem:s20], [sflag:$0x3] =	stream.linear.gather [hbm4b:s7+s12], $0x1400, $0x38;
	[tilespmem:$0x1CC80] =	vst v63  }
0x62: {  	s21 =	simm.s32 $0x5800;
	s8 =	sadd.s32 s2, s10  }
0x63: {  	[tilespmem:s21], [sflag:$0x4] =	stream.linear.gather [hbm4b:s8+s12], $0x1400, $0x38;
	[tilespmem:$0x1CC80] =	vst v63  }
0x64: {  	s2 =	sadd.s32 s2, s11  }
0x65: {  	[tilespmem:s22], [sflag:$0x5] =	stream.linear.gather [hbm4b:s2+s12], $0x1400, $0x38;
	[tilespmem:$0x1CC80] =	vst v63  }
0x66: {  	s19 =	simm.s32 $0x0;
	s2 =	simm.s32 $0x0  }
.LBB2_9:
0x67: {  	_ =	swait.ge [sflag:s23], $0x1400  }
0x68: {  	p1 =	seq.s32 s19, $0x7080;
	[sflag:s23] =	ssyncset.done $0x0  }
0x69: {  	s21 =	simm.s32 @p1 $0x2;
	[sflag:s23] =	ssyncadd.s32 $0xFFFFEC00  }
0x6a: {  	[spmem:s1] =	stream.indirect.scatter.add.f32 [tilespmem:s18], [sflag:$0x6], $0x80, s2, s24, $0xb8;
	[tilespmem:$0x1CC80] =	vst v63  }
0x6b: {  	_ =	swait.ge @p1 [sflag:s21], $0x1400  }
0x6c: {  	s4 =	simm.s32 @p1 $0x28;
	[sflag:s21] =	ssyncset.done @p1 $0x0  }
0x6d: {  	s5 =	simm.s32 @p1 $0x3000;
	[sflag:s21] =	ssyncadd.s32 @p1 $0xFFFFEC00;
	s21 =	sadd.s32 @p1 $0x80, s2  }
0x6e: {  	[spmem:s1] =	stream.indirect.scatter.add.f32 @p1 [tilespmem:s5], [sflag:$0x7], $0x80, s21, s4, $0xb8;
	[tilespmem:$0x1CC80] =	vst v63  }
0x6f: {  	s5 =	simm.s32 @!p1 $0x6  }
0x70: {  	_ =	swait.ge @!p1 [sflag:s5], $0x1400  }
0x71: {  	[sflag:s5] =	ssyncset.done @!p1 $0x0  }
0x72: {  	[sflag:s5] =	ssyncadd.s32 @!p1 $0xFFFFEC00;
	s5 =	sadd.s32 @!p1 s19, s15  }
0x73: {  	s6 =	simm.s32 @!p1 $0x0;
	s7 =	simm.s32 @!p1 $0x1C00;
	s21 =	sadd.s32 @!p1 $0xC80, s5  }
0x74: {  	[tilespmem:s7], [sflag:$0x1] =	stream.linear.gather @!p1 [hbm4b:s21+s6], $0x1400, $0x38;
	[tilespmem:$0x1CC80] =	vst v63  }
0x75: {  	s7 =	simm.s32 @!p1 $0x2  }
0x76: {  	_ =	swait.ge @!p1 [sflag:s7], $0x1400  }
0x77: {  	s8 =	simm.s32 @!p1 $0x3000;
	[sflag:s7] =	ssyncset.done @!p1 $0x0  }
0x78: {  	s21 =	simm.s32 @!p1 $0x28;
	[sflag:s7] =	ssyncadd.s32 @!p1 $0xFFFFEC00;
	s7 =	sadd.s32 @!p1 $0x80, s2  }
0x79: {  	[spmem:s1] =	stream.indirect.scatter.add.f32 @!p1 [tilespmem:s8], [sflag:$0x7], $0x80, s7, s21, $0xb8;
	[tilespmem:$0x1CC80] =	vst v63  }
0x7a: {  	s7 =	simm.s32 @!p1 $0x7  }
0x7b: {  	_ =	swait.ge @!p1 [sflag:s7], $0x1400  }
0x7c: {  	[sflag:s7] =	ssyncset.done @!p1 $0x0  }
0x7d: {  	[sflag:s7] =	ssyncadd.s32 @!p1 $0xFFFFEC00;
	s7 =	sadd.s32 @!p1 $0xF00, s5  }
0x7e: {  	[tilespmem:s8], [sflag:$0x2] =	stream.linear.gather @!p1 [hbm4b:s7+s6], $0x1400, $0x38;
	[tilespmem:$0x1CC80] =	vst v63  }
0x7f: {  	_ =	swait.ge [sflag:s25], $0x1400  }
0x80: {  	[sflag:s25] =	ssyncset.done $0x0  }
0x81: {  	s8 =	sadd.s32 $0x100, s2;
	s7 =	simm.s32 @p1 $0x4;
	[sflag:s25] =	ssyncadd.s32 $0xFFFFEC00  }
0x82: {  	[spmem:s1] =	stream.indirect.scatter.add.f32 [tilespmem:s20], [sflag:$0x8], $0x80, s8, s24, $0xb8;
	[tilespmem:$0x1CC80] =	vst v63  }
0x83: {  	_ =	swait.ge @p1 [sflag:s7], $0x1400  }
0x84: {  	[sflag:s7] =	ssyncset.done @p1 $0x0  }
0x85: {  	s8 =	simm.s32 @p1 $0x5800;
	[sflag:s7] =	ssyncadd.s32 @p1 $0xFFFFEC00;
	s7 =	sadd.s32 @p1 $0x180, s2  }
0x86: {  	[spmem:s1] =	stream.indirect.scatter.add.f32 @p1 [tilespmem:s8], [sflag:$0x9], $0x80, s7, s4, $0xb8;
	[tilespmem:$0x1CC80] =	vst v63  }
0x87: {  	s4 =	simm.s32 @!p1 $0x8  }
0x88: {  	_ =	swait.ge @!p1 [sflag:s4], $0x1400  }
0x89: {  	[sflag:s4] =	ssyncset.done @!p1 $0x0  }
0x8a: {  	s7 =	simm.s32 @!p1 $0x4400;
	[sflag:s4] =	ssyncadd.s32 @!p1 $0xFFFFEC00;
	s4 =	sadd.s32 @!p1 $0x1180, s5  }
0x8b: {  	[tilespmem:s7], [sflag:$0x3] =	stream.linear.gather @!p1 [hbm4b:s4+s6], $0x1400, $0x38;
	[tilespmem:$0x1CC80] =	vst v63  }
0x8c: {  	s4 =	simm.s32 @!p1 $0x4  }
0x8d: {  	_ =	swait.ge @!p1 [sflag:s4], $0x1400  }
0x8e: {  	[sflag:s4] =	ssyncset.done @!p1 $0x0  }
0x8f: {  	s7 =	simm.s32 @!p1 $0x5800;
	[sflag:s4] =	ssyncadd.s32 @!p1 $0xFFFFEC00;
	s4 =	sadd.s32 @!p1 $0x180, s2  }
0x90: {  	[spmem:s1] =	stream.indirect.scatter.add.f32 @!p1 [tilespmem:s7], [sflag:$0x9], $0x80, s4, s21, $0xb8;
	[tilespmem:$0x1CC80] =	vst v63  }
0x91: {  	s4 =	simm.s32 @!p1 $0x9  }
0x92: {  	_ =	swait.ge @!p1 [sflag:s4], $0x1400  }
0x93: {  	[sflag:s4] =	ssyncset.done @!p1 $0x0  }
0x94: {  	[sflag:s4] =	ssyncadd.s32 @!p1 $0xFFFFEC00;
	s4 =	sadd.s32 @!p1 $0x1400, s5  }
0x95: {  	[tilespmem:s7], [sflag:$0x4] =	stream.linear.gather @!p1 [hbm4b:s4+s6], $0x1400, $0x38;
	[tilespmem:$0x1CC80] =	vst v63  }
.Ltmp7:
0x96: {  	_ = 	snop;
	(pc) =	sbr.rel @p1 .LBB2_11-.Ltmp7, $4  }
0x97: {  	_ =	swait.ge [sflag:s26], $0x1400  }
0x98: {  	[sflag:s26] =	ssyncset.done $0x0  }
0x99: {  	s21 =	sadd.s32 $0x200, s2;
	[sflag:s26] =	ssyncadd.s32 $0xFFFFEC00  }
0x9a: {  	[spmem:s1] =	stream.indirect.scatter.add.f32 [tilespmem:s22], [sflag:$0xA], $0x80, s21, s24, $0xb8;
	[tilespmem:$0x1CC80] =	vst v63  }
.Ltmp8:
0x9b: {  	(pc) =	sbr.rel .LBB2_9-.Ltmp8, $4  }
0x9c: {  	_ =	swait.ge [sflag:s0], $0x1400  }
0x9d: {  	s4 =	sadd.s32 s19, s15;
	s19 =	sadd.s32 $0xC80, s19;
	[sflag:s0] =	ssyncset.done $0x0  }
0x9e: {  	s2 =	sadd.s32 $0x280, s2;
	s4 =	sadd.s32 $0x1680, s4;
	[sflag:s0] =	ssyncadd.s32 $0xFFFFEC00  }
0x9f: {  	[tilespmem:s22], [sflag:$0x5] =	stream.linear.gather [hbm4b:s4+s3], $0x1400, $0x38;
	[tilespmem:$0x1CC80] =	vst v63  }
.LBB2_13:
0xa0: {  	_ =	sfence.sel $0x180000  }
0xa1: {  	[bflag:$0x0] =	sbarrier.arrive $0xFFFF  }
0xa2: {  	_ =	strace $0x9000004A  }
0xa3: {  	s0 =	stileid.u32;
	[bflag:$0x2] =	sbarrier.arrive $0xFFFF  }
0xa4: {  	p0 =	sne.s32 s0, $0x0;
	s0 =	rddreg [dreg:$0x2]  }
0xa5: {  	s0 =	sadd.s32 @!p0 $0x100000, s0  }
0xa6: {  	[sflag:s0] =	ssyncadd.tile.s32 @!p0 $0x1;
	_ =	shalt  }
.Lfunc_end2:
_tile_overlayer_lowered:
.L_overlay_start_2:
0xa7: {  	(tag) =	ssettag $0x2  }
0xa8: {  	s0 =	rddreg [dreg:$0x0];
	s2 =	stileid.u32  }
0xa9: {  	s1 =	rddreg [dreg:$0x1];
	p0 =	sne.s32 s2, $0x0  }
0xaa: {  	s3 =	rddreg [dreg:$0x2];
	[bflag:$0x3] =	sbarrier.arrive $0xFFFF;
	s2 =	simm.s32 @!p0 $0x1C0B  }
0xab: {  	[timem:s3], [sflag:s2] =	dma.local @!p0 [hbm:s0], s1  }
0xac: {  	s0 =	simm.s32 @!p0 $0xB  }
0xad: {  	_ =	swait.ge @!p0 [sflag:s0], s1  }
0xae: {  	s1 =	ssub.s32 @!p0 $0x0, s1;
	[sflag:s0] =	ssyncset.done @!p0 $0x0  }
0xaf: {  	[sflag:s0] =	ssyncadd.s32 @!p0 s1  }
0xb0: {  	[bflag:$0x3] =	sbarrier.arrive $0xFFFF  }
0xb1: {  	_ =	shalt  }

// kernel: kernel.8.cloned.1.call-start
scs
__scs_entry_jumppad:
0x0: {  	(pc) =	sbr.rel $0x88, $3  }
0x1: {  	(tag) =	ssettag $0x0;
	lr =	simm.s32 $0x1  }
0x2: {  	[smem:$0x3F94] =	sst lr;
	_ =	strace $0xD0000000  }
0x3: {  	_ = 	snop  }
0x4: {  	_ = 	snop  }
0x5: {  	_ = 	snop  }
0x6: {  	_ = 	snop  }
0x7: {  	_ = 	snop  }
__scs_overlays_trampoline_lowered:
0x8: {  	[smem:$0x3FA3] =	sst s0  }
0x9: {  	[smem:$0x3FA4] =	sst s1  }
0xa: {  	[smem:$0x3FA5] =	sst s2  }
0xb: {  	[smem:$0x3FA6] =	sst s3  }
0xc: {  	[smem:$0x3FA7] =	sst s4  }
0xd: {  	[smem:$0x3FA8] =	sst s5  }
0xe: {  	[smem:$0x3FA9] =	sst s6  }
0xf: {  	[smem:$0x3FAA] =	sst s7  }
0x10: {  	[smem:$0x3FAB] =	sst s8  }
0x11: {  	[smem:$0x3FAC] =	sst s9;
	s0 =	simm.s32 @!p0 $0x0  }
0x12: {  	s1 =	sld [smem:$0x3F92];
	s0 =	simm.s32 @p0 $0x1  }
0x13: {  	[smem:$0x3FAD] =	sst s0;
	s0 =	simm.s32 @!p1 $0x0  }
0x14: {  	s2 =	sld [smem:$0x3F91];
	s0 =	simm.s32 @p1 $0x1  }
0x15: {  	[smem:$0x3FAE] =	sst s0;
	s0 =	simm.s32 @!p2 $0x0  }
0x16: {  	s3 =	sld [smem:$0x3FDB];
	s0 =	simm.s32 @p2 $0x1  }
0x17: {  	s4 =	simm.s32 $0x1BF5;
	[smem:$0x3FB0] =	sst s0  }
0x18: {  	s0 =	sld [smem:$0x3F93];
	_ =	swait.ge [sflag:s4], $0x0  }
0x19: {  	s7 =	sld [smem:$0x3F94]  }
0x1a: {  	s8 =	sadd.s32 $0xFFFFE003, lr  }
0x1b: {  	s9 =	sadd.s32 $0xFFFFFEF7, lr;
	s5 =	simm.s32 $0xFFFFFFFF;
	p2 =	slt.u32 s8, $0xFFFFF086  }
0x1c: {  	p1 =	slt.u32 s9, $0xF7A;
	s5 =	simm.s32 @!p2 $0x0  }
0x1d: {  	s5 =	simm.s32 @p1 $0x1;
	p0 =	seq.s32 s7, s2  }
0x1e: {  	s7 =	smul.u32 @!p0 $0xF7A, s2;
	p2 =	seq.s32 @!p0 s5, $0x0  }
0x1f: {  	s9 =	smul.u32 $0xF7A, s1;
	s8 =	simm.s32 @!p0 $0x1BF5;
	p2 =	por !p2, p0  }
0x20: {  	[sflag:s8] =	ssyncset.s32 @!p0 $0xFFFFF086;
	s6 =	sadd.s32 @!p0 s3, s7;
	s7 =	simm.s32 @!p0 $0x108  }
0x21: {  	s3 =	sadd.s32 s3, s9;
	s6 =	sadd.s32 @!p0 $0x88, s6;
	s7 =	simm.s32 @p2 $0x1082  }
0x22: {  	[simem:s7], [sflag:s8] =	dma.local @!p0 [hbm:s6], $0xF7A  }
0x23: {  	s9 =	sor.u32 $0xD0000000, s2;
	s6 =	simm.s32 $0x108;
	_ =	swait.ge @!p0 [sflag:s8], $0x0  }
0x24: {  	s3 =	sadd.s32 $0x88, s3;
	s6 =	simm.s32 @!p1 $0x1082;
	[sflag:s4] =	ssyncset.s32 $0xFFFFF086  }
0x25: {  	[simem:s6], [sflag:s4] =	dma.local [hbm:s3], $0xF7A  }
0x26: {  	[smem:$0x3F94] =	sst s1;
	(tag) =	ssettag s2;
	_ =	strace s9  }
0x27: {  	s1 =	sld [smem:$0x3FA4]  }
0x28: {  	s2 =	sld [smem:$0x3FA5]  }
0x29: {  	s4 =	sld [smem:$0x3FA7]  }
0x2a: {  	p0 =	seq.s32 s5, $0x0;
	s5 =	sld [smem:$0x3FA8]  }
0x2b: {  	s6 =	sld [smem:$0x3FA9]  }
0x2c: {  	s7 =	sld [smem:$0x3FAA]  }
0x2d: {  	s3 =	simm.s32 $0x108;
	s8 =	sld [smem:$0x3FAB]  }
0x2e: {  	s3 =	simm.s32 @!p0 $0x1082;
	s9 =	sld [smem:$0x3FAC]  }
0x2f: {  	lr =	sadd.s32 s0, s3;
	s0 =	sld [smem:$0x3FA3]  }
0x30: {  	s3 =	sld [smem:$0x3FA6]  }
0x31: {  	[smem:$0x3FAF] =	sst s10  }
0x32: {  	s10 =	sld [smem:$0x3FAD];
	_ =	sdelay $0x3  }
0x33: {  	p0 =	seq.s32 s10, $0x1;
	s10 =	sld [smem:$0x3FAF];
	_ =	sdelay $0x3  }
0x34: {  	[smem:$0x3FAF] =	sst s10  }
0x35: {  	s10 =	sld [smem:$0x3FAE];
	_ =	sdelay $0x3  }
0x36: {  	p1 =	seq.s32 s10, $0x1;
	s10 =	sld [smem:$0x3FAF];
	_ =	sdelay $0x3  }
0x37: {  	[smem:$0x3FAF] =	sst s10  }
0x38: {  	s10 =	sld [smem:$0x3FB0]  }
0x39: {  	_ = 	snop;
	(pc) =	sbr.ind lr, $3  }
0x3a: {  	_ = 	snop  }
0x3b: {  	_ = 	snop  }
0x3c: {  	p2 =	seq.s32 s10, $0x1;
	s10 =	sld [smem:$0x3FAF]  }
0x3d: {  	_ =	shalt  }
0x3e: {  	_ =	shalt  }
0x3f: {  	_ =	shalt  }
0x40: {  	_ =	shalt  }
0x41: {  	_ =	shalt  }
0x42: {  	_ =	shalt  }
0x43: {  	_ =	shalt  }
0x44: {  	_ =	shalt  }
0x45: {  	_ =	shalt  }
0x46: {  	_ =	shalt  }
0x47: {  	_ =	shalt  }
0x48: {  	_ =	shalt  }
0x49: {  	_ =	shalt  }
0x4a: {  	_ =	shalt  }
0x4b: {  	_ =	shalt  }
0x4c: {  	_ =	shalt  }
0x4d: {  	_ =	shalt  }
0x4e: {  	_ =	shalt  }
0x4f: {  	_ =	shalt  }
0x50: {  	_ =	shalt  }
0x51: {  	_ =	shalt  }
0x52: {  	_ =	shalt  }
0x53: {  	_ =	shalt  }
0x54: {  	_ =	shalt  }
0x55: {  	_ =	shalt  }
0x56: {  	_ =	shalt  }
0x57: {  	_ =	shalt  }
0x58: {  	_ =	shalt  }
0x59: {  	_ =	shalt  }
0x5a: {  	_ =	shalt  }
0x5b: {  	_ =	shalt  }
0x5c: {  	_ =	shalt  }
0x5d: {  	_ =	shalt  }
0x5e: {  	_ =	shalt  }
0x5f: {  	_ =	shalt  }
0x60: {  	_ =	shalt  }
0x61: {  	_ =	shalt  }
0x62: {  	_ =	shalt  }
0x63: {  	_ =	shalt  }
0x64: {  	_ =	shalt  }
0x65: {  	_ =	shalt  }
0x66: {  	_ =	shalt  }
0x67: {  	_ =	shalt  }
0x68: {  	_ =	shalt  }
0x69: {  	_ =	shalt  }
0x6a: {  	_ =	shalt  }
0x6b: {  	_ =	shalt  }
0x6c: {  	_ =	shalt  }
0x6d: {  	_ =	shalt  }
0x6e: {  	_ =	shalt  }
0x6f: {  	_ =	shalt  }
0x70: {  	_ =	shalt  }
0x71: {  	_ =	shalt  }
0x72: {  	_ =	shalt  }
0x73: {  	_ =	shalt  }
0x74: {  	_ =	shalt  }
0x75: {  	_ =	shalt  }
0x76: {  	_ =	shalt  }
0x77: {  	_ =	shalt  }
0x78: {  	_ =	shalt  }
0x79: {  	_ =	shalt  }
0x7a: {  	_ =	shalt  }
0x7b: {  	_ =	shalt  }
0x7c: {  	_ =	shalt  }
0x7d: {  	_ =	shalt  }
0x7e: {  	_ =	shalt  }
0x7f: {  	_ =	shalt  }
0x80: {  	_ =	shalt  }
0x81: {  	_ =	shalt  }
0x82: {  	_ =	shalt  }
0x83: {  	_ =	shalt  }
0x84: {  	_ =	shalt  }
0x85: {  	_ =	shalt  }
0x86: {  	_ =	shalt  }
0x87: {  	_ =	shalt  }
.Lfunc_end0:
.L_simem_size_0:
called_computation_lowered:
.L_overlay_start_0:
0x88: {  	s2 =	sld [smem:$0x3FD9]  }
0x89: {  	s3 =	sld [smem:$0x3FFE];
	_ =	sdelay $0x1  }
0x8a: {  	s1 =	srdreg.scid  }
0x8b: {  	s0 =	sand.u32 $0x1, s1  }
0x8c: {  	s17 =	sshll.u32 s0, $0xA;
	s2 =	sadd.s32 s3, s2  }
0x8d: {  	s2 =	sadd.s32 s2, s17  }
0x8e: {  	[smem:$0x3FBB] =	sst s2  }
0x8f: {  	_ = 	snop  }
0x90: {  	s2 =	sld [smem:$0x3FD0];
	(tm) =	ssettm $0x1  }
0x91: {  	s18 =	sld [smem:$0x3FFB];
	_ =	sdelay $0x3  }
0x92: {  	_ =	strace s18  }
0x93: {  	s3 =	sld [smem:$0x3FFC];
	_ =	sdelay $0x3  }
0x94: {  	_ =	strace s3  }
0x95: {  	s3 =	sld [smem:$0x3FFD];
	_ =	sdelay $0x3  }
0x96: {  	_ =	strace s3  }
0x97: {  	_ =	strace $0x8FFFFFFF  }
0x98: {  	s19 =	sld [smem:$0x3FDB];
	_ =	sdelay $0x1  }
0x99: {  	s4 =	simm.s32 $_scs_section_size  }
0x9a: {  	s5 =	simm.s32 $_size__tile_overlayer_lowered;
	s6 =	simm.s32 $_tile_overlayer_lowered  }
0x9b: {  	s22 =	simm.s32 $0x1BFF;
	s21 =	sshll.u32 s6, $0x1;
	s3 =	sadd.s32 s4, s19  }
0x9c: {  	s7 =	simm.s32 $0x0;
	s20 =	sshll.u32 s5, $0x1;
	s5 =	sadd.s32 s21, s3  }
0x9d: {  	[timem:s7], [sflag:s22] =	dma.local [hbm:s5], s20  }
0x9e: {  	_ =	swait.ge [sflag:s22], s20  }
0x9f: {  	s4 =	ssub.s32 $0x0, s20;
	[sflag:s22] =	ssyncset.done $0x0  }
0xa0: {  	[sflag:s22] =	ssyncadd.s32 s4;
	_ =	sdelay $0x1  }
0xa1: {  	s23 =	simm.s32 $0x1B8B  }
0xa2: {  	_ =	swait.ge [sflag:s23], $0x1  }
0xa3: {  	[sflag:s23] =	ssyncset.done $0x0  }
0xa4: {  	s25 =	simm.s32 $0x1B8E;
	s24 =	sld [smem:$0x3FFE];
	[sflag:s23] =	ssyncadd.s32 $0xFFFFFFFF  }
0xa5: {  	s26 =	simm.s32 $execute0_lowered;
	[smem:$0x3FD2] =	sst s25  }
0xa6: {  	s5 =	sshll.u32 s26, $0x1;
	_ =	strace $0x80000046;
	[dreg:$0x1] =	wrdreg $0xFFFFFFFF  }
0xa7: {  	s28 =	simm.s32 $_size_execute0_lowered;
	s3 =	sadd.s32 s3, s5;
	[dreg:$0x0] =	wrdreg $0x0  }
0xa8: {  	s5 =	sshll.u32 s28, $0x1;
	[dreg:$0x2] =	wrdreg s3  }
0xa9: {  	[dreg:$0x3] =	wrdreg s5  }
0xaa: {  	[dreg:$0x4] =	wrdreg $0xC0  }
0xab: {  	_ =	task [dreg:s7], $0x5FFFF  }
0xac: {  	[dreg:$0x1] =	wrdreg $0xFFFFFFFF  }
0xad: {  	[dreg:$0x0] =	wrdreg $0x60  }
0xae: {  	[dreg:$0x2] =	wrdreg s2  }
0xaf: {  	[dreg:$0x3] =	wrdreg s24  }
0xb0: {  	[dreg:$0x4] =	wrdreg $0x9  }
0xb1: {  	_ =	task.clear_ibuf [dreg:s7], $0x5FFFF;
	_ =	strace $0x90000046  }
0xb2: {  	s29 =	simm.s32 $0x9;
	_ =	strace $0x80000048  }
0xb3: {  	_ =	swait.ge [sflag:s29], $0x1  }
0xb4: {  	[sflag:s29] =	ssyncadd.s32 $0xFFFFFFFF  }
0xb5: {  	_ =	strace $0x90000048  }
0xb6: {  	_ =	sfence  }
0xb7: {  	s30 =	sld [smem:$0x0];
	_ =	sdelay $0x2  }
0xb8: {  	s31 =	sshll.u32 s1, $0xD;
	s1 =	sshrl.u32 s1, $0x2  }
0xb9: {  	s3 =	sand.u32 $0x4000, s31;
	s1 =	sadd.s32 s1, s30  }
0xba: {  	s0 =	sor.u32 s3, s0;
	s1 =	sshll.u32 s1, $0x11  }
0xbb: {  	s0 =	sor.u32 s1, s0  }
0xbc: {  	s0 =	sadd.s32 $0x8F2B, s0  }
0xbd: {  	[sflag:s0] =	ssyncadd.remote.s32 $0x1  }
0xbe: {  	_ =	sfence.sel $0xFFFF  }
0xbf: {  	[dreg:$0x0] =	wrdreg $0xFFFFFFFF;
	(pc) =	sbr.abs _section_cstart, $3  }
0xc0: {  	[dreg:$0x1] =	wrdreg $0xFFFFFFFF  }
0xc1: {  	_ =	task.clear_ibuf [dreg:s7], $0x2FFFF;
	_ =	strace $0x9FFFFFFF  }
0xc2: {  	(tm) =	ssettm $0x7FFFFFFF  }
0xc3: {  	_ =	shalt  }
tec
execute0_lowered:
.L_overlay_start_1:
0x0: {  	(tag) =	ssettag $0x1  }
0x1: {  	s0 =	srdreg.scid;
	s2 =	rddreg [dreg:$0x0]  }
0x2: {  	s8 =	stileid.u32;
	s5 =	rddreg [dreg:$0x1];
	s3 =	simm.s32 $0x0  }
0x3: {  	s14 =	simm.s32 $0x50;
	s23 =	simm.s32 $0x16700;
	s28 =	simm.s32 $0x18F00  }
0x4: {  	s30 =	simm.s32 $0xEF00;
	s18 =	simm.s32 $0x6;
	s20 =	simm.s32 $0x2  }
0x5: {  	s22 =	simm.s32 $0x7;
	s29 =	simm.s32 $0x4;
	s31 =	simm.s32 $0x9  }
0x6: {  	s10 =	simm.s32 $0x14;
	s12 =	simm.s32 $0x0;
	s0 =	sand.u32 $0x1, s0  }
0x7: {  	s4 =	sshll.u32 s8, $0x7;
	[smem:$0x7FF] =	sst s3;
	s1 =	sshll.u32 s0, $0x4  }
0x8: {  	s24 =	smul.u32 $0x271000, s0;
	s0 =	ssub.s32 $0x2, s0;
	s1 =	sor.u32 s8, s1  }
0x9: {  	s6 =	sand.u32 $0x380, s4;
	s7 =	sshrl.u32 s0, $0x1;
	s1 =	sshrl.u32 s1, $0x3  }
0xa: {  	_ =	strace $0x80000047;
	s0 =	ssub.s32 s0, s7;
	s1 =	smul.u32 $0x13C00, s1  }
0xb: {  	s4 =	sadd.s32 $0x17400, s5;
	s8 =	smul.u32 $0x27100, s8;
	s0 =	smax.u32 s0, $0x1  }
0xc: {  	s7 =	simm.s32 $0xF;
	[dreg:$0x5] =	wrdreg s0;
	s1 =	sor.u32 s6, s1  }
0xd: {  	s0 =	simm.s32 $0x1;
	s6 =	simm.s32 $0xA;
	s1 =	sshrl.u32 s1, $0x3  }
.Ltmp0:
0xe: {  	s1 =	sadd.s32 s1, s5;
	s5 =	sadd.s32 s24, s5;
	(pc) =	sbr.rel .LBB2_1-.Ltmp0, $4  }
0xf: {  	s24 =	simm.s32 $0x3;
	s25 =	sadd.s32 $0xD600, s1;
	s1 =	sadd.s32 $0x3800, s1  }
0x10: {  	s26 =	sadd.s32 s8, s5;
	s5 =	simm.s32 $0x5;
	[dreg:$0x3] =	wrdreg s25  }
0x11: {  	[dreg:$0x4] =	wrdreg s1;
	s8 =	sadd.s32 $0x3E600, s26;
	s9 =	sadd.s32 $0x520600, s26  }
0x12: {  	s25 =	simm.s32 $0xC700;
	s1 =	simm.s32 $0x1B700;
	s26 =	simm.s32 $0x8  }
.LBB2_4:
0x13: {  	s11 =	simm.s32 $0xB  }
0x14: {  	_ =	swait.ge [sflag:s11], $0x2800  }
0x15: {  	[sflag:s11] =	ssyncset.done $0x0  }
0x16: {  	s21 =	simm.s32 $0x10;
	[sflag:s11] =	ssyncadd.s32 $0xFFFFD800  }
0x17: {  	_ =	swait.ge [sflag:s21], $0x2800  }
0x18: {  	[sflag:s21] =	ssyncset.done $0x0  }
0x19: {  	s12 =	simm.s32 $0xC;
	[sflag:s21] =	ssyncadd.s32 $0xFFFFD800  }
0x1a: {  	_ =	swait.ge [sflag:s12], $0x2800  }
0x1b: {  	[sflag:s12] =	ssyncset.done $0x0  }
0x1c: {  	s13 =	simm.s32 $0x11;
	[sflag:s12] =	ssyncadd.s32 $0xFFFFD800  }
0x1d: {  	_ =	swait.ge [sflag:s13], $0x2800  }
0x1e: {  	[sflag:s13] =	ssyncset.done $0x0  }
0x1f: {  	s15 =	simm.s32 $0xD;
	[sflag:s13] =	ssyncadd.s32 $0xFFFFD800  }
0x20: {  	_ =	swait.ge [sflag:s15], $0x2800  }
0x21: {  	[sflag:s15] =	ssyncset.done $0x0  }
0x22: {  	s16 =	simm.s32 $0x12;
	[sflag:s15] =	ssyncadd.s32 $0xFFFFD800  }
0x23: {  	_ =	swait.ge [sflag:s16], $0x2800  }
0x24: {  	[sflag:s16] =	ssyncset.done $0x0  }
0x25: {  	s17 =	simm.s32 $0xE;
	[sflag:s16] =	ssyncadd.s32 $0xFFFFD800  }
0x26: {  	_ =	swait.ge [sflag:s17], $0x2800  }
0x27: {  	[sflag:s17] =	ssyncset.done $0x0  }
0x28: {  	s19 =	simm.s32 $0x13;
	[sflag:s17] =	ssyncadd.s32 $0xFFFFD800  }
0x29: {  	_ =	swait.ge [sflag:s19], $0x2800  }
0x2a: {  	[sflag:s19] =	ssyncset.done $0x0  }
0x2b: {  	[sflag:s19] =	ssyncadd.s32 $0xFFFFD800  }
0x2c: {  	_ =	swait.ge [sflag:s7], $0x2800  }
0x2d: {  	[sflag:s7] =	ssyncset.done $0x0  }
0x2e: {  	[sflag:s7] =	ssyncadd.s32 $0xFFFFD800  }
0x2f: {  	_ =	swait.ge [sflag:s10], $0x2800  }
0x30: {  	s12 =	rddreg [dreg:$0x6]  }
0x31: {  	s21 =	rddreg [dreg:$0x5];
	s12 =	sadd.s32 $0x1, s12  }
0x32: {  	p0 =	sne.s32 s12, s21  }
.Ltmp1:
0x33: {  	_ = 	snop;
	(pc) =	sbr.rel @!p0 .LBB2_5-.Ltmp1, $3  }
0x34: {  	_ =	sdelay $0x1  }
0x35: {  	[sflag:s10] =	ssyncset.done $0x0  }
0x36: {  	[sflag:s10] =	ssyncadd.s32 $0xFFFFD800  }
.LBB2_1:
0x37: {  	[dreg:$0x6] =	wrdreg s12  }
0x38: {  	s11 =	rddreg [dreg:$0x3]  }
0x39: {  	s19 =	simm.s32 $0x80;
	s13 =	simm.s32 $0x400;
	s15 =	simm.s32 $0x15  }
0x3a: {  	[tilespmem:s3], [sflag:$0x15] =	stream.strided.gather [hbm4b:s11+s19], $0x2780, s13, s19, $0x38;
	[tilespmem:$0x1DF00] =	vst v63  }
0x3b: {  	_ =	swait.ge [sflag:s15], $0x2780  }
0x3c: {  	[sflag:s15] =	ssyncset.done $0x0  }
0x3d: {  	s16 =	simm.s32 $0x2780;
	s21 =	rddreg [dreg:$0x4];
	[sflag:s15] =	ssyncadd.s32 $0xFFFFD880  }
0x3e: {  	[tilespmem:s16], [sflag:$0x15] =	stream.strided.gather [hbm4b:s21+s19], $0x2780, s13, s19, $0x38;
	[tilespmem:$0x1DF00] =	vst v63  }
0x3f: {  	_ =	swait.ge [sflag:s15], $0x2780  }
0x40: {  	[sflag:s15] =	ssyncset.done $0x0  }
0x41: {  	s13 =	simm.s32 $0x4F00;
	[sflag:s15] =	ssyncadd.s32 $0xFFFFD880  }
0x42: {  	[tilespmem:s13], [sflag:$0x1] =	stream.indirect.gather [hbm4b:s2+s14], $0x80, s3, s14, $0xb8;
	[tilespmem:$0x1DF00] =	vst v63  }
0x43: {  	s15 =	simm.s32 $0x11700  }
0x44: {  	[tilespmem:s15], [sflag:$0x6] =	stream.indirect.gather [hbm4b:s4+s14], $0x80, s16, s14, $0xb8;
	[tilespmem:$0x1DF00] =	vst v63  }
0x45: {  	s17 =	simm.s32 $0x7700  }
0x46: {  	[tilespmem:s17], [sflag:$0x2] =	stream.indirect.gather [hbm4b:s2+s14], $0x80, s14, s14, $0xb8;
	[tilespmem:$0x1DF00] =	vst v63  }
0x47: {  	s19 =	simm.s32 $0x27D0;
	s21 =	simm.s32 $0x13F00  }
0x48: {  	[tilespmem:s21], [sflag:$0x7] =	stream.indirect.gather [hbm4b:s4+s14], $0x80, s19, s14, $0xb8;
	[tilespmem:$0x1DF00] =	vst v63  }
0x49: {  	s12 =	simm.s32 $0xA0;
	s13 =	simm.s32 $0x9F00  }
0x4a: {  	[tilespmem:s13], [sflag:$0x3] =	stream.indirect.gather [hbm4b:s2+s14], $0x80, s12, s14, $0xb8;
	[tilespmem:$0x1DF00] =	vst v63  }
0x4b: {  	s15 =	simm.s32 $0x2820  }
0x4c: {  	[tilespmem:s23], [sflag:$0x8] =	stream.indirect.gather [hbm4b:s4+s14], $0x80, s15, s14, $0xb8;
	[tilespmem:$0x1DF00] =	vst v63  }
0x4d: {  	s16 =	simm.s32 $0xF0  }
0x4e: {  	[tilespmem:s25], [sflag:$0x4] =	stream.indirect.gather [hbm4b:s2+s14], $0x80, s16, s14, $0xb8;
	[tilespmem:$0x1DF00] =	vst v63  }
0x4f: {  	s17 =	simm.s32 $0x2870  }
0x50: {  	[tilespmem:s28], [sflag:$0x9] =	stream.indirect.gather [hbm4b:s4+s14], $0x80, s17, s14, $0xb8;
	[tilespmem:$0x1DF00] =	vst v63  }
0x51: {  	s19 =	simm.s32 $0x140  }
0x52: {  	[tilespmem:s30], [sflag:$0x5] =	stream.indirect.gather [hbm4b:s2+s14], $0x80, s19, s14, $0xb8;
	[tilespmem:$0x1DF00] =	vst v63  }
0x53: {  	s21 =	simm.s32 $0x28C0;
	s13 =	simm.s32 $0x0;
	s12 =	simm.s32 $0x0  }
0x54: {  	[tilespmem:s1], [sflag:$0xA] =	stream.indirect.gather [hbm4b:s4+s14], $0x80, s21, s14, $0xb8;
	[tilespmem:$0x1DF00] =	vst v63  }
.LBB2_2:
0x55: {  	_ =	swait.ge [sflag:s0], $0x2800  }
0x56: {  	[sflag:s0] =	ssyncset.done $0x0  }
0x57: {  	[sflag:s0] =	ssyncadd.s32 $0xFFFFD800  }
0x58: {  	_ =	swait.ge [sflag:s18], $0x2800  }
0x59: {  	[sflag:s18] =	ssyncset.done $0x0  }
0x5a: {  	s11 =	sadd.s32 s12, s8;
	s15 =	simm.s32 $0x4F00;
	[sflag:s18] =	ssyncadd.s32 $0xFFFFD800  }
0x5b: {  	[hbm4b:s11+s3] =	stream.linear.scatter [tilespmem:s15], [sflag:$0xB], $0x2800, $0x38;
	[tilespmem:$0x1DF00] =	vst v63  }
0x5c: {  	s16 =	simm.s32 $0x11700;
	p0 =	seq.s32 s12, $0x25800;
	s15 =	sadd.s32 s12, s9  }
0x5d: {  	[hbm4b:s15+s3] =	stream.linear.scatter [tilespmem:s16], [sflag:$0x10], $0x2800, $0x38;
	[tilespmem:$0x1DF00] =	vst v63  }
0x5e: {  	s16 =	simm.s32 @!p0 $0xB  }
0x5f: {  	_ =	swait.ge @!p0 [sflag:s16], $0x2800  }
0x60: {  	[sflag:s16] =	ssyncset.done @!p0 $0x0  }
0x61: {  	[sflag:s16] =	ssyncadd.s32 @!p0 $0xFFFFD800;
	s16 =	simm.s32 @!p0 $0x10  }
0x62: {  	_ =	swait.ge @!p0 [sflag:s16], $0x2800  }
0x63: {  	[sflag:s16] =	ssyncset.done @!p0 $0x0  }
0x64: {  	[sflag:s16] =	ssyncadd.s32 @!p0 $0xFFFFD800;
	s16 =	sshra.s32 @!p0 s13, $0x2  }
0x65: {  	s17 =	simm.s32 @!p0 $0x50;
	s21 =	simm.s32 @!p0 $0x4F00;
	s19 =	sadd.s32 @!p0 $0x190, s16  }
0x66: {  	[tilespmem:s21], [sflag:$0x1] =	stream.indirect.gather @!p0 [hbm4b:s2+s17], $0x80, s19, s17, $0xb8;
	[tilespmem:$0x1DF00] =	vst v63  }
0x67: {  	s19 =	sadd.s32 @!p0 $0x2910, s16;
	s21 =	simm.s32 @!p0 $0x11700  }
0x68: {  	[tilespmem:s21], [sflag:$0x6] =	stream.indirect.gather @!p0 [hbm4b:s4+s17], $0x80, s19, s17, $0xb8;
	[tilespmem:$0x1DF00] =	vst v63  }
0x69: {  	_ =	swait.ge [sflag:s20], $0x2800  }
0x6a: {  	[sflag:s20] =	ssyncset.done $0x0  }
0x6b: {  	[sflag:s20] =	ssyncadd.s32 $0xFFFFD800  }
0x6c: {  	_ =	swait.ge [sflag:s22], $0x2800  }
0x6d: {  	[sflag:s22] =	ssyncset.done $0x0  }
0x6e: {  	s19 =	sadd.s32 $0x500, s11;
	s21 =	simm.s32 $0x7700;
	[sflag:s22] =	ssyncadd.s32 $0xFFFFD800  }
0x6f: {  	[hbm4b:s19+s3] =	stream.linear.scatter [tilespmem:s21], [sflag:$0xC], $0x2800, $0x38;
	[tilespmem:$0x1DF00] =	vst v63  }
0x70: {  	s19 =	sadd.s32 $0x500, s15;
	s21 =	simm.s32 $0x13F00  }
0x71: {  	[hbm4b:s19+s3] =	stream.linear.scatter [tilespmem:s21], [sflag:$0x11], $0x2800, $0x38;
	[tilespmem:$0x1DF00] =	vst v63  }
0x72: {  	s19 =	simm.s32 @!p0 $0xC  }
0x73: {  	_ =	swait.ge @!p0 [sflag:s19], $0x2800  }
0x74: {  	[sflag:s19] =	ssyncset.done @!p0 $0x0  }
0x75: {  	[sflag:s19] =	ssyncadd.s32 @!p0 $0xFFFFD800;
	s19 =	simm.s32 @!p0 $0x11  }
0x76: {  	_ =	swait.ge @!p0 [sflag:s19], $0x2800  }
0x77: {  	[sflag:s19] =	ssyncset.done @!p0 $0x0  }
0x78: {  	s21 =	simm.s32 @!p0 $0x7700;
	[sflag:s19] =	ssyncadd.s32 @!p0 $0xFFFFD800;
	s19 =	sadd.s32 @!p0 $0x1E0, s16  }
0x79: {  	[tilespmem:s21], [sflag:$0x2] =	stream.indirect.gather @!p0 [hbm4b:s2+s17], $0x80, s19, s17, $0xb8;
	[tilespmem:$0x1DF00] =	vst v63  }
0x7a: {  	s19 =	sadd.s32 @!p0 $0x2960, s16;
	s21 =	simm.s32 @!p0 $0x13F00  }
0x7b: {  	[tilespmem:s21], [sflag:$0x7] =	stream.indirect.gather @!p0 [hbm4b:s4+s17], $0x80, s19, s17, $0xb8;
	[tilespmem:$0x1DF00] =	vst v63  }
0x7c: {  	_ =	swait.ge [sflag:s24], $0x2800  }
0x7d: {  	[sflag:s24] =	ssyncset.done $0x0  }
0x7e: {  	[sflag:s24] =	ssyncadd.s32 $0xFFFFD800  }
0x7f: {  	_ =	swait.ge [sflag:s26], $0x2800  }
0x80: {  	[sflag:s26] =	ssyncset.done $0x0  }
0x81: {  	s19 =	sadd.s32 $0xA00, s11;
	s21 =	simm.s32 $0x9F00;
	[sflag:s26] =	ssyncadd.s32 $0xFFFFD800  }
0x82: {  	[hbm4b:s19+s3] =	stream.linear.scatter [tilespmem:s21], [sflag:$0xD], $0x2800, $0x38;
	[tilespmem:$0x1DF00] =	vst v63  }
0x83: {  	s21 =	sadd.s32 $0xA00, s15;
	s19 =	simm.s32 @!p0 $0xD  }
0x84: {  	[hbm4b:s21+s3] =	stream.linear.scatter [tilespmem:s23], [sflag:$0x12], $0x2800, $0x38;
	[tilespmem:$0x1DF00] =	vst v63  }
0x85: {  	_ =	swait.ge @!p0 [sflag:s19], $0x2800  }
0x86: {  	[sflag:s19] =	ssyncset.done @!p0 $0x0  }
0x87: {  	[sflag:s19] =	ssyncadd.s32 @!p0 $0xFFFFD800;
	s19 =	simm.s32 @!p0 $0x12  }
0x88: {  	_ =	swait.ge @!p0 [sflag:s19], $0x2800  }
0x89: {  	[sflag:s19] =	ssyncset.done @!p0 $0x0  }
0x8a: {  	s21 =	simm.s32 @!p0 $0x9F00;
	[sflag:s19] =	ssyncadd.s32 @!p0 $0xFFFFD800;
	s19 =	sadd.s32 @!p0 $0x230, s16  }
0x8b: {  	[tilespmem:s21], [sflag:$0x3] =	stream.indirect.gather @!p0 [hbm4b:s2+s17], $0x80, s19, s17, $0xb8;
	[tilespmem:$0x1DF00] =	vst v63  }
0x8c: {  	s19 =	sadd.s32 @!p0 $0x29B0, s16;
	s21 =	simm.s32 @!p0 $0x16700  }
0x8d: {  	[tilespmem:s21], [sflag:$0x8] =	stream.indirect.gather @!p0 [hbm4b:s4+s17], $0x80, s19, s17, $0xb8;
	[tilespmem:$0x1DF00] =	vst v63  }
0x8e: {  	_ =	swait.ge [sflag:s29], $0x2800  }
0x8f: {  	[sflag:s29] =	ssyncset.done $0x0  }
0x90: {  	[sflag:s29] =	ssyncadd.s32 $0xFFFFD800  }
0x91: {  	_ =	swait.ge [sflag:s31], $0x2800  }
0x92: {  	[sflag:s31] =	ssyncset.done $0x0  }
0x93: {  	s21 =	sadd.s32 $0xF00, s11;
	[sflag:s31] =	ssyncadd.s32 $0xFFFFD800  }
0x94: {  	[hbm4b:s21+s3] =	stream.linear.scatter [tilespmem:s25], [sflag:$0xE], $0x2800, $0x38;
	[tilespmem:$0x1DF00] =	vst v63  }
0x95: {  	s19 =	simm.s32 @!p0 $0xE;
	s21 =	sadd.s32 $0xF00, s15  }
0x96: {  	[hbm4b:s21+s3] =	stream.linear.scatter [tilespmem:s28], [sflag:$0x13], $0x2800, $0x38;
	[tilespmem:$0x1DF00] =	vst v63  }
0x97: {  	_ =	swait.ge @!p0 [sflag:s19], $0x2800  }
0x98: {  	[sflag:s19] =	ssyncset.done @!p0 $0x0  }
0x99: {  	[sflag:s19] =	ssyncadd.s32 @!p0 $0xFFFFD800;
	s19 =	simm.s32 @!p0 $0x13  }
0x9a: {  	_ =	swait.ge @!p0 [sflag:s19], $0x2800  }
0x9b: {  	[sflag:s19] =	ssyncset.done @!p0 $0x0  }
0x9c: {  	s21 =	simm.s32 @!p0 $0xC700;
	[sflag:s19] =	ssyncadd.s32 @!p0 $0xFFFFD800;
	s19 =	sadd.s32 @!p0 $0x280, s16  }
0x9d: {  	[tilespmem:s21], [sflag:$0x4] =	stream.indirect.gather @!p0 [hbm4b:s2+s17], $0x80, s19, s17, $0xb8;
	[tilespmem:$0x1DF00] =	vst v63  }
0x9e: {  	s16 =	sadd.s32 @!p0 $0x2A00, s16;
	s19 =	simm.s32 @!p0 $0x18F00  }
0x9f: {  	[tilespmem:s19], [sflag:$0x9] =	stream.indirect.gather @!p0 [hbm4b:s4+s17], $0x80, s16, s17, $0xb8;
	[tilespmem:$0x1DF00] =	vst v63  }
0xa0: {  	_ =	swait.ge [sflag:s5], $0x2800  }
0xa1: {  	[sflag:s5] =	ssyncset.done $0x0  }
0xa2: {  	[sflag:s5] =	ssyncadd.s32 $0xFFFFD800  }
0xa3: {  	_ =	swait.ge [sflag:s6], $0x2800  }
.Ltmp2:
0xa4: {  	[sflag:s6] =	ssyncset.done $0x0;
	(pc) =	sbr.rel @p0 .LBB2_4-.Ltmp2, $4  }
0xa5: {  	s11 =	sadd.s32 $0x1400, s11;
	[sflag:s6] =	ssyncadd.s32 $0xFFFFD800  }
0xa6: {  	[hbm4b:s11+s3] =	stream.linear.scatter [tilespmem:s30], [sflag:$0xF], $0x2800, $0x38;
	[tilespmem:$0x1DF00] =	vst v63  }
0xa7: {  	s21 =	sadd.s32 $0x1400, s15  }
0xa8: {  	[hbm4b:s21+s3] =	stream.linear.scatter [tilespmem:s1], [sflag:$0x14], $0x2800, $0x38;
	[tilespmem:$0x1DF00] =	vst v63  }
0xa9: {  	_ =	swait.ge [sflag:s7], $0x2800  }
0xaa: {  	[sflag:s7] =	ssyncset.done $0x0  }
0xab: {  	[sflag:s7] =	ssyncadd.s32 $0xFFFFD800  }
0xac: {  	_ =	swait.ge [sflag:s10], $0x2800  }
.Ltmp3:
0xad: {  	s11 =	sshra.s32 s13, $0x2;
	[sflag:s10] =	ssyncset.done $0x0;
	(pc) =	sbr.rel .LBB2_2-.Ltmp3, $4  }
0xae: {  	s15 =	sadd.s32 $0x2D0, s11;
	[sflag:s10] =	ssyncadd.s32 $0xFFFFD800  }
0xaf: {  	[tilespmem:s30], [sflag:$0x5] =	stream.indirect.gather [hbm4b:s2+s14], $0x80, s15, s14, $0xb8;
	[tilespmem:$0x1DF00] =	vst v63  }
0xb0: {  	s12 =	sadd.s32 $0x1900, s12;
	s13 =	sadd.s32 $0x640, s13;
	s11 =	sadd.s32 $0x2A50, s11  }
0xb1: {  	[tilespmem:s1], [sflag:$0xA] =	stream.indirect.gather [hbm4b:s4+s14], $0x80, s11, s14, $0xb8;
	[tilespmem:$0x1DF00] =	vst v63  }
.LBB2_5:
0xb2: {  	_ =	sfence.sel $0x180000  }
0xb3: {  	[bflag:$0x0] =	sbarrier.arrive $0xFFFF  }
0xb4: {  	_ =	strace $0x90000047  }
0xb5: {  	s0 =	stileid.u32;
	[bflag:$0x2] =	sbarrier.arrive $0xFFFF  }
0xb6: {  	p0 =	sne.s32 s0, $0x0;
	s0 =	rddreg [dreg:$0x2]  }
0xb7: {  	s0 =	sadd.s32 @!p0 $0x100000, s0  }
0xb8: {  	[sflag:s0] =	ssyncadd.tile.s32 @!p0 $0x1;
	_ =	shalt  }
.Lfunc_end2:
_tile_overlayer_lowered:
.L_overlay_start_2:
0xb9: {  	(tag) =	ssettag $0x2  }
0xba: {  	s0 =	rddreg [dreg:$0x0];
	s2 =	stileid.u32  }
0xbb: {  	s1 =	rddreg [dreg:$0x1];
	p0 =	sne.s32 s2, $0x0  }
0xbc: {  	s3 =	rddreg [dreg:$0x2];
	[bflag:$0x3] =	sbarrier.arrive $0xFFFF;
	s2 =	simm.s32 @!p0 $0x1C15  }
0xbd: {  	[timem:s3], [sflag:s2] =	dma.local @!p0 [hbm:s0], s1  }
0xbe: {  	s0 =	simm.s32 @!p0 $0x15  }
0xbf: {  	_ =	swait.ge @!p0 [sflag:s0], s1  }
0xc0: {  	s1 =	ssub.s32 @!p0 $0x0, s1;
	[sflag:s0] =	ssyncset.done @!p0 $0x0  }
0xc1: {  	[sflag:s0] =	ssyncadd.s32 @!p0 s1  }
0xc2: {  	[bflag:$0x3] =	sbarrier.arrive $0xFFFF  }
0xc3: {  	_ =	shalt  }

</sc_bundles>
